<compile_context>
chip_gen: v7x
topology: tpu7x:2x2x1
jax: 0.10.2.dev20260603
libtpu: 0.0.44.dev20260713+nightly
codegen_flags: <defaults>
</compile_context>

<pallas_src>
import functools

import jax
import jax.numpy as jnp
import numpy as np
from jax import lax
from jax.experimental import pallas as pl
from jax.experimental.pallas import tpu as pltpu
from jax.experimental.pallas import tpu_sc as plsc

N = 10000
D = 128
E = 320000

NC = 2
NS = 16
NW = NC * NS

CH = 128
N_PAD = 10240
ROWS_PER_TILE = N_PAD // NS
E_PAD = 327680
CPT = E_PAD // (NW * CH)
DEG_PER_TILE = N_PAD // NS

_mesh = plsc.VectorSubcoreMesh(core_axis_name="c", subcore_axis_name="s", num_cores=NC, num_subcores=NS)


@functools.partial(
    pl.kernel,
    out_type=jax.ShapeDtypeStruct((NC, N_PAD), jnp.float32),
    mesh=_mesh,
    scratch_types=[
        pltpu.VMEM((CPT, CH), jnp.int32),
        pltpu.VMEM((CH,), jnp.float32),
        pltpu.VMEM((DEG_PER_TILE,), jnp.float32),
        pltpu.VMEM_SHARED((N_PAD,), jnp.float32),
        pltpu.SemaphoreType.DMA,
    ],
)
def _deg_kernel(edges_hbm, deg_out, dst_l, ones_v, zbuf, sh_deg, sem):
    c = lax.axis_index("c")
    s = lax.axis_index("s")
    wid = c * NS + s
    one16 = jnp.ones((16,), jnp.float32)
    zero16 = jnp.zeros((16,), jnp.float32)
    for j in range(CH // 16):
        ones_v[pl.ds(j * 16, 16)] = one16
    for j in range(DEG_PER_TILE // 16):
        zbuf[pl.ds(j * 16, 16)] = zero16
    pltpu.sync_copy(zbuf, sh_deg.at[pl.ds(s * DEG_PER_TILE, DEG_PER_TILE)])
    pltpu.sync_copy(edges_hbm.at[np.int32(1), pl.ds(wid * CPT, CPT)], dst_l)
    plsc.subcore_barrier()

    def fire(j, carry):
        pltpu.async_copy(ones_v, sh_deg.at[dst_l.at[j]], sem, add=True)
        return carry

    lax.fori_loop(0, CPT, fire, None)

    def drain(j, carry):
        pltpu.make_async_copy(ones_v, sh_deg.at[dst_l.at[j]], sem).wait()
        return carry

    lax.fori_loop(0, CPT, drain, None)
    plsc.subcore_barrier()
    pltpu.sync_copy(
        sh_deg.at[pl.ds(s * DEG_PER_TILE, DEG_PER_TILE)],
        deg_out.at[c, pl.ds(s * DEG_PER_TILE, DEG_PER_TILE)],
    )


@functools.partial(
    pl.kernel,
    out_type=jax.ShapeDtypeStruct((NC, N_PAD, D), jnp.float32),
    mesh=_mesh,
    scratch_types=[
        pltpu.VMEM((CPT, CH), jnp.int32),
        pltpu.VMEM((CH,), jnp.int32),
        pltpu.VMEM((CH,), jnp.int32),
        pltpu.VMEM((CH, D), jnp.float32),
        pltpu.VMEM((CH, D), jnp.float32),
        pltpu.VMEM_SHARED((N_PAD, D), jnp.float32),
        pltpu.SemaphoreType.DMA,
        pltpu.SemaphoreType.DMA,
        pltpu.SemaphoreType.DMA,
        pltpu.SemaphoreType.DMA,
    ],
)
def _agg_kernel(sup_hbm, edges_hbm, zeros_hbm, out_hbm,
                src_l, dstb0, dstb1, rows0, rows1, sh_agg,
                sem0, sem1, semd0, semd1):
    c = lax.axis_index("c")
    s = lax.axis_index("s")
    wid = c * NS + s
    base = wid * np.int32(CPT)
    pltpu.sync_copy(zeros_hbm, sh_agg.at[pl.ds(s * ROWS_PER_TILE, ROWS_PER_TILE)])
    pltpu.sync_copy(edges_hbm.at[np.int32(0), pl.ds(wid * CPT, CPT)], src_l)
    plsc.subcore_barrier()

    def gather(j, buf, sem):
        return pltpu.make_async_copy(sup_hbm.at[src_l.at[j]], buf, sem)

    def dst_load(j, buf, sem):
        return pltpu.make_async_copy(edges_hbm.at[np.int32(1), base + j], buf, sem)

    gather(np.int32(0), rows0, sem0).start()
    dst_load(np.int32(0), dstb0, semd0).start()

    def body(i, j0):
        j1 = j0 + np.int32(1)
        gather(j1, rows1, sem1).start()
        dst_load(j1, dstb1, semd1).start()
        gather(j0, rows0, sem0).wait()
        dst_load(j0, dstb0, semd0).wait()
        pltpu.sync_copy(rows0, sh_agg.at[dstb0], add=True)

        @pl.when(j0 + np.int32(2) < np.int32(CPT))
        def _():
            gather(j0 + np.int32(2), rows0, sem0).start()
            dst_load(j0 + np.int32(2), dstb0, semd0).start()

        gather(j1, rows1, sem1).wait()
        dst_load(j1, dstb1, semd1).wait()
        pltpu.sync_copy(rows1, sh_agg.at[dstb1], add=True)
        return j0 + np.int32(2)

    lax.fori_loop(0, CPT // 2, body, jnp.int32(0))
    plsc.subcore_barrier()
    pltpu.sync_copy(
        sh_agg.at[pl.ds(s * ROWS_PER_TILE, ROWS_PER_TILE)],
        out_hbm.at[c, pl.ds(s * ROWS_PER_TILE, ROWS_PER_TILE)],
    )


_BLK = 2048
_GRID = 5

_I0 = np.int32(0)



def _support_body(x_ref, w_ref, degp_ref, sup_ref, dinv_ref):
    deg = degp_ref[0] + degp_ref[1] + 1.0
    dinv = lax.rsqrt(deg).reshape(_BLK, 1)
    s = lax.dot_general(
        x_ref[...], w_ref[...],
        dimension_numbers=(((1,), (1,)), ((), ())),
        preferred_element_type=jnp.float32,
        precision=lax.Precision.DEFAULT,
    )
    sup_ref[...] = s * dinv
    dinv_ref[...] = dinv


def _finish_body(aggp_ref, sup_ref, dinv_ref, b_ref, out_ref):
    total = aggp_ref[0] + aggp_ref[1] + sup_ref[...]
    out_ref[...] = jnp.maximum(total * dinv_ref[...] + b_ref[...], 0.0)


def kernel(x, edge_index, W, b):
    ei = edge_index.astype(jnp.int32)
    pad_src = (jnp.arange(E_PAD - E, dtype=jnp.int32)
               % jnp.int32(N)).reshape(1, E_PAD - E)
    pad_dst = N + (jnp.arange(E_PAD - E, dtype=jnp.int32)
                   % jnp.int32(N_PAD - N)).reshape(1, E_PAD - E)
    edges = jnp.concatenate(
        [ei, jnp.concatenate([pad_src, pad_dst], axis=0)], axis=1
    ).reshape(2, E_PAD // CH, CH)
    zeros2d = jnp.zeros((ROWS_PER_TILE, D), jnp.float32)

    degp3 = _deg_kernel(edges)

    support2, dinv = pl.pallas_call(
        _support_body,
        grid=(_GRID,),
        in_specs=[
            pl.BlockSpec((_BLK, D), lambda i: (i, _I0)),
            pl.BlockSpec((D, D), lambda i: (_I0, _I0)),
            pl.BlockSpec((NC, _BLK), lambda i: (_I0, i)),
        ],
        out_specs=[
            pl.BlockSpec((_BLK, D), lambda i: (i, _I0)),
            pl.BlockSpec((_BLK, 1), lambda i: (i, _I0)),
        ],
        out_shape=[
            jax.ShapeDtypeStruct((N, D), jnp.float32),
            jax.ShapeDtypeStruct((N, 1), jnp.float32),
        ],
    )(x, W.astype(jnp.float32), degp3)

    agg_p = _agg_kernel(support2, edges, zeros2d)

    return pl.pallas_call(
        _finish_body,
        grid=(_GRID,),
        in_specs=[
            pl.BlockSpec((NC, _BLK, D), lambda i: (_I0, i, _I0)),
            pl.BlockSpec((_BLK, D), lambda i: (i, _I0)),
            pl.BlockSpec((_BLK, 1), lambda i: (i, _I0)),
            pl.BlockSpec((1, D), lambda i: (_I0, _I0)),
        ],
        out_specs=pl.BlockSpec((_BLK, D), lambda i: (i, _I0)),
        out_shape=jax.ShapeDtypeStruct((N, D), jnp.float32),
    )(agg_p, support2, dinv, b.astype(jnp.float32).reshape(1, D))

# --- scband reference (transcript-rebuilt; emitter-appended) ---
"""Pipeline reference for scband-graph-convolution-torch-45062796869923 (READ-ONLY COPY).

The authoritative reference and input builder live on the scoring server;
editing this copy changes nothing except your own understanding.
"""

import jax
jax.config.update("jax_enable_x64", True)
import jax.numpy as jnp
import numpy as np

N = 10000
E = 320000
D_IN = 128
D_OUT = 128


def setup_inputs(seed: int = 0) -> dict:
    key = jax.random.key(seed)
    k1, k2, k3 = jax.random.split(key, 3)
    x = jax.random.normal(k1, (N, D_IN), dtype=jnp.float32)
    edge_index = jax.random.randint(k2, (2, E), 0, N, dtype=jnp.int64)
    # GCNConv linear weight [out_features, in_features], xavier_uniform init
    limit = float(np.sqrt(6.0 / (D_IN + D_OUT)))
    W = jax.random.uniform(k3, (D_OUT, D_IN), dtype=jnp.float32, minval=-limit, maxval=limit)
    b = jnp.zeros((D_OUT,), dtype=jnp.float32)
    return {"x": x, "edge_index": edge_index, "W": W, "b": b}


def reference(x, edge_index, W, b):
    n = x.shape[0]
    # add self-loops (GCNConv default)
    loop = jnp.arange(n, dtype=edge_index.dtype)
    src = jnp.concatenate([edge_index[0], loop])
    dst = jnp.concatenate([edge_index[1], loop])
    # symmetric normalization: deg^-1/2 on both endpoints (degree from dst)
    deg = jax.ops.segment_sum(jnp.ones_like(src, dtype=x.dtype), dst, num_segments=n)
    deg_inv_sqrt = jnp.where(deg > 0, jax.lax.rsqrt(jnp.maximum(deg, 1e-12)), 0.0)
    norm = deg_inv_sqrt[src] * deg_inv_sqrt[dst]
    # linear transform then gather / scatter-add aggregation
    support = x @ W.T
    msg = support[src] * norm[:, None]
    agg = jax.ops.segment_sum(msg, dst, num_segments=n)
    out = agg + b
    # act = relu applied by GraphConvolutionTorch
    out = jax.nn.relu(out)
    return out

if __name__ == "__main__":
    import jax
    _d = setup_inputs()
    print(jax.jit(kernel)(*tuple(_d.values())))

</pallas_src>

<mosaic_0001>
#map = affine_map<(d0, d1) -> (0, 0, 0)>
#map1 = affine_map<(d0, d1) -> (0, 0)>
module attributes {stable_mosaic.version = 14 : i64} {
  func.func @_deg_kernel(%arg0: i32, %arg1: i32, %arg2: memref<2x2560x128xi32, #tpu.memory_space<hbm>>, %arg3: memref<2x10240xf32, #tpu.memory_space<hbm>>, %arg4: memref<80x128xi32, #tpu.memory_space<vmem>>, %arg5: memref<128xf32, #tpu.memory_space<vmem>>, %arg6: memref<640xf32, #tpu.memory_space<vmem>>, %arg7: memref<10240xf32, #tpu.memory_space<vmem_shared>>, %arg8: memref<!tpu.dma_semaphore, #tpu.memory_space<semaphore_mem>>) attributes {dimension_semantics = [#tpu.dimension_semantics<core_parallel>, #tpu.dimension_semantics<subcore_parallel>], iteration_bounds = array<i64: 2, 16>, scalar_prefetch = 0 : i64, scratch_operands = 5 : i64, tpu.core_type = #tpu.core_type<sc_vector_subcore>, window_params = [{transform_indices = #map}, {transform_indices = #map1}]} {
    %mul3A = arith.constant 16 : i32
    %mul3A_0 = arith.muli %arg0, %mul3A : i32
    %add3A = arith.addi %mul3A_0, %arg1 : i32
    %broadcast_in_dim3A = arith.constant 1.000000e+00 : f32
    %broadcast_in_dim3A_1 = vector.broadcast %broadcast_in_dim3A : f32 to vector<16xf32>
    %broadcast_in_dim3A_2 = arith.constant 0.000000e+00 : f32
    %broadcast_in_dim3A_3 = vector.broadcast %broadcast_in_dim3A_2 : f32 to vector<16xf32>
    %swap3A = arith.constant 0 : index
    %swap3A_4 = tpu.vector_load %arg5[%swap3A] {strides = array<i32>} : memref<128xf32, #tpu.memory_space<vmem>>, vector<16xf32>,
    %swap3A_5 = vector.shape_cast %swap3A_4 : vector<16xf32> to vector<16xf32>
    %swap3A_6 = vector.shape_cast %broadcast_in_dim3A_1 : vector<16xf32> to vector<16xf32>
    tpu.vector_store %arg5[%swap3A], %swap3A_6 {strides = array<i32>} : memref<128xf32, #tpu.memory_space<vmem>>, vector<16xf32>,
    %swap3A_7 = arith.constant 16 : index
    %swap3A_8 = tpu.vector_load %arg5[%swap3A_7] {strides = array<i32>} : memref<128xf32, #tpu.memory_space<vmem>>, vector<16xf32>,
    %swap3A_9 = vector.shape_cast %swap3A_8 : vector<16xf32> to vector<16xf32>
    %swap3A_10 = vector.shape_cast %broadcast_in_dim3A_1 : vector<16xf32> to vector<16xf32>
    tpu.vector_store %arg5[%swap3A_7], %swap3A_10 {strides = array<i32>} : memref<128xf32, #tpu.memory_space<vmem>>, vector<16xf32>,
    %swap3A_11 = arith.constant 32 : index
    %swap3A_12 = tpu.vector_load %arg5[%swap3A_11] {strides = array<i32>} : memref<128xf32, #tpu.memory_space<vmem>>, vector<16xf32>,
    %swap3A_13 = vector.shape_cast %swap3A_12 : vector<16xf32> to vector<16xf32>
    %swap3A_14 = vector.shape_cast %broadcast_in_dim3A_1 : vector<16xf32> to vector<16xf32>
    tpu.vector_store %arg5[%swap3A_11], %swap3A_14 {strides = array<i32>} : memref<128xf32, #tpu.memory_space<vmem>>, vector<16xf32>,
    %swap3A_15 = arith.constant 48 : index
    %swap3A_16 = tpu.vector_load %arg5[%swap3A_15] {strides = array<i32>} : memref<128xf32, #tpu.memory_space<vmem>>, vector<16xf32>,
    %swap3A_17 = vector.shape_cast %swap3A_16 : vector<16xf32> to vector<16xf32>
    %swap3A_18 = vector.shape_cast %broadcast_in_dim3A_1 : vector<16xf32> to vector<16xf32>
    tpu.vector_store %arg5[%swap3A_15], %swap3A_18 {strides = array<i32>} : memref<128xf32, #tpu.memory_space<vmem>>, vector<16xf32>,
    %swap3A_19 = arith.constant 64 : index
    %swap3A_20 = tpu.vector_load %arg5[%swap3A_19] {strides = array<i32>} : memref<128xf32, #tpu.memory_space<vmem>>, vector<16xf32>,
    %swap3A_21 = vector.shape_cast %swap3A_20 : vector<16xf32> to vector<16xf32>
    %swap3A_22 = vector.shape_cast %broadcast_in_dim3A_1 : vector<16xf32> to vector<16xf32>
    tpu.vector_store %arg5[%swap3A_19], %swap3A_22 {strides = array<i32>} : memref<128xf32, #tpu.memory_space<vmem>>, vector<16xf32>,
    %swap3A_23 = arith.constant 80 : index
    %swap3A_24 = tpu.vector_load %arg5[%swap3A_23] {strides = array<i32>} : memref<128xf32, #tpu.memory_space<vmem>>, vector<16xf32>,
    %swap3A_25 = vector.shape_cast %swap3A_24 : vector<16xf32> to vector<16xf32>
    %swap3A_26 = vector.shape_cast %broadcast_in_dim3A_1 : vector<16xf32> to vector<16xf32>
    tpu.vector_store %arg5[%swap3A_23], %swap3A_26 {strides = array<i32>} : memref<128xf32, #tpu.memory_space<vmem>>, vector<16xf32>,
    %swap3A_27 = arith.constant 96 : index
    %swap3A_28 = tpu.vector_load %arg5[%swap3A_27] {strides = array<i32>} : memref<128xf32, #tpu.memory_space<vmem>>, vector<16xf32>,
    %swap3A_29 = vector.shape_cast %swap3A_28 : vector<16xf32> to vector<16xf32>
    %swap3A_30 = vector.shape_cast %broadcast_in_dim3A_1 : vector<16xf32> to vector<16xf32>
    tpu.vector_store %arg5[%swap3A_27], %swap3A_30 {strides = array<i32>} : memref<128xf32, #tpu.memory_space<vmem>>, vector<16xf32>,
    %swap3A_31 = arith.constant 112 : index
    %swap3A_32 = tpu.vector_load %arg5[%swap3A_31] {strides = array<i32>} : memref<128xf32, #tpu.memory_space<vmem>>, vector<16xf32>,
    %swap3A_33 = vector.shape_cast %swap3A_32 : vector<16xf32> to vector<16xf32>
    %swap3A_34 = vector.shape_cast %broadcast_in_dim3A_1 : vector<16xf32> to vector<16xf32>
    tpu.vector_store %arg5[%swap3A_31], %swap3A_34 {strides = array<i32>} : memref<128xf32, #tpu.memory_space<vmem>>, vector<16xf32>,
    %swap3A_35 = arith.constant 0 : index
    %swap3A_36 = tpu.vector_load %arg6[%swap3A_35] {strides = array<i32>} : memref<640xf32, #tpu.memory_space<vmem>>, vector<16xf32>,
    %swap3A_37 = vector.shape_cast %swap3A_36 : vector<16xf32> to vector<16xf32>
    %swap3A_38 = vector.shape_cast %broadcast_in_dim3A_3 : vector<16xf32> to vector<16xf32>
    tpu.vector_store %arg6[%swap3A_35], %swap3A_38 {strides = array<i32>} : memref<640xf32, #tpu.memory_space<vmem>>, vector<16xf32>,
    %swap3A_39 = arith.constant 16 : index
    %swap3A_40 = tpu.vector_load %arg6[%swap3A_39] {strides = array<i32>} : memref<640xf32, #tpu.memory_space<vmem>>, vector<16xf32>,
    %swap3A_41 = vector.shape_cast %swap3A_40 : vector<16xf32> to vector<16xf32>
    %swap3A_42 = vector.shape_cast %broadcast_in_dim3A_3 : vector<16xf32> to vector<16xf32>
    tpu.vector_store %arg6[%swap3A_39], %swap3A_42 {strides = array<i32>} : memref<640xf32, #tpu.memory_space<vmem>>, vector<16xf32>,
    %swap3A_43 = arith.constant 32 : index
    %swap3A_44 = tpu.vector_load %arg6[%swap3A_43] {strides = array<i32>} : memref<640xf32, #tpu.memory_space<vmem>>, vector<16xf32>,
    %swap3A_45 = vector.shape_cast %swap3A_44 : vector<16xf32> to vector<16xf32>
    %swap3A_46 = vector.shape_cast %broadcast_in_dim3A_3 : vector<16xf32> to vector<16xf32>
    tpu.vector_store %arg6[%swap3A_43], %swap3A_46 {strides = array<i32>} : memref<640xf32, #tpu.memory_space<vmem>>, vector<16xf32>,
    %swap3A_47 = arith.constant 48 : index
    %swap3A_48 = tpu.vector_load %arg6[%swap3A_47] {strides = array<i32>} : memref<640xf32, #tpu.memory_space<vmem>>, vector<16xf32>,
    %swap3A_49 = vector.shape_cast %swap3A_48 : vector<16xf32> to vector<16xf32>
    %swap3A_50 = vector.shape_cast %broadcast_in_dim3A_3 : vector<16xf32> to vector<16xf32>
    tpu.vector_store %arg6[%swap3A_47], %swap3A_50 {strides = array<i32>} : memref<640xf32, #tpu.memory_space<vmem>>, vector<16xf32>,
    %swap3A_51 = arith.constant 64 : index
    %swap3A_52 = tpu.vector_load %arg6[%swap3A_51] {strides = array<i32>} : memref<640xf32, #tpu.memory_space<vmem>>, vector<16xf32>,
    %swap3A_53 = vector.shape_cast %swap3A_52 : vector<16xf32> to vector<16xf32>
    %swap3A_54 = vector.shape_cast %broadcast_in_dim3A_3 : vector<16xf32> to vector<16xf32>
    tpu.vector_store %arg6[%swap3A_51], %swap3A_54 {strides = array<i32>} : memref<640xf32, #tpu.memory_space<vmem>>, vector<16xf32>,
    %swap3A_55 = arith.constant 80 : index
    %swap3A_56 = tpu.vector_load %arg6[%swap3A_55] {strides = array<i32>} : memref<640xf32, #tpu.memory_space<vmem>>, vector<16xf32>,
    %swap3A_57 = vector.shape_cast %swap3A_56 : vector<16xf32> to vector<16xf32>
    %swap3A_58 = vector.shape_cast %broadcast_in_dim3A_3 : vector<16xf32> to vector<16xf32>
    tpu.vector_store %arg6[%swap3A_55], %swap3A_58 {strides = array<i32>} : memref<640xf32, #tpu.memory_space<vmem>>, vector<16xf32>,
    %swap3A_59 = arith.constant 96 : index
    %swap3A_60 = tpu.vector_load %arg6[%swap3A_59] {strides = array<i32>} : memref<640xf32, #tpu.memory_space<vmem>>, vector<16xf32>,
    %swap3A_61 = vector.shape_cast %swap3A_60 : vector<16xf32> to vector<16xf32>
    %swap3A_62 = vector.shape_cast %broadcast_in_dim3A_3 : vector<16xf32> to vector<16xf32>
    tpu.vector_store %arg6[%swap3A_59], %swap3A_62 {strides = array<i32>} : memref<640xf32, #tpu.memory_space<vmem>>, vector<16xf32>,
    %swap3A_63 = arith.constant 112 : index
    %swap3A_64 = tpu.vector_load %arg6[%swap3A_63] {strides = array<i32>} : memref<640xf32, #tpu.memory_space<vmem>>, vector<16xf32>,
    %swap3A_65 = vector.shape_cast %swap3A_64 : vector<16xf32> to vector<16xf32>
    %swap3A_66 = vector.shape_cast %broadcast_in_dim3A_3 : vector<16xf32> to vector<16xf32>
    tpu.vector_store %arg6[%swap3A_63], %swap3A_66 {strides = array<i32>} : memref<640xf32, #tpu.memory_space<vmem>>, vector<16xf32>,
    %swap3A_67 = arith.constant 128 : index
    %swap3A_68 = tpu.vector_load %arg6[%swap3A_67] {strides = array<i32>} : memref<640xf32, #tpu.memory_space<vmem>>, vector<16xf32>,
    %swap3A_69 = vector.shape_cast %swap3A_68 : vector<16xf32> to vector<16xf32>
    %swap3A_70 = vector.shape_cast %broadcast_in_dim3A_3 : vector<16xf32> to vector<16xf32>
    tpu.vector_store %arg6[%swap3A_67], %swap3A_70 {strides = array<i32>} : memref<640xf32, #tpu.memory_space<vmem>>, vector<16xf32>,
    %swap3A_71 = arith.constant 144 : index
    %swap3A_72 = tpu.vector_load %arg6[%swap3A_71] {strides = array<i32>} : memref<640xf32, #tpu.memory_space<vmem>>, vector<16xf32>,
    %swap3A_73 = vector.shape_cast %swap3A_72 : vector<16xf32> to vector<16xf32>
    %swap3A_74 = vector.shape_cast %broadcast_in_dim3A_3 : vector<16xf32> to vector<16xf32>
    tpu.vector_store %arg6[%swap3A_71], %swap3A_74 {strides = array<i32>} : memref<640xf32, #tpu.memory_space<vmem>>, vector<16xf32>,
    %swap3A_75 = arith.constant 160 : index
    %swap3A_76 = tpu.vector_load %arg6[%swap3A_75] {strides = array<i32>} : memref<640xf32, #tpu.memory_space<vmem>>, vector<16xf32>,
    %swap3A_77 = vector.shape_cast %swap3A_76 : vector<16xf32> to vector<16xf32>
    %swap3A_78 = vector.shape_cast %broadcast_in_dim3A_3 : vector<16xf32> to vector<16xf32>
    tpu.vector_store %arg6[%swap3A_75], %swap3A_78 {strides = array<i32>} : memref<640xf32, #tpu.memory_space<vmem>>, vector<16xf32>,
    %swap3A_79 = arith.constant 176 : index
    %swap3A_80 = tpu.vector_load %arg6[%swap3A_79] {strides = array<i32>} : memref<640xf32, #tpu.memory_space<vmem>>, vector<16xf32>,
    %swap3A_81 = vector.shape_cast %swap3A_80 : vector<16xf32> to vector<16xf32>
    %swap3A_82 = vector.shape_cast %broadcast_in_dim3A_3 : vector<16xf32> to vector<16xf32>
    tpu.vector_store %arg6[%swap3A_79], %swap3A_82 {strides = array<i32>} : memref<640xf32, #tpu.memory_space<vmem>>, vector<16xf32>,
    %swap3A_83 = arith.constant 192 : index
    %swap3A_84 = tpu.vector_load %arg6[%swap3A_83] {strides = array<i32>} : memref<640xf32, #tpu.memory_space<vmem>>, vector<16xf32>,
    %swap3A_85 = vector.shape_cast %swap3A_84 : vector<16xf32> to vector<16xf32>
    %swap3A_86 = vector.shape_cast %broadcast_in_dim3A_3 : vector<16xf32> to vector<16xf32>
    tpu.vector_store %arg6[%swap3A_83], %swap3A_86 {strides = array<i32>} : memref<640xf32, #tpu.memory_space<vmem>>, vector<16xf32>,
    %swap3A_87 = arith.constant 208 : index
    %swap3A_88 = tpu.vector_load %arg6[%swap3A_87] {strides = array<i32>} : memref<640xf32, #tpu.memory_space<vmem>>, vector<16xf32>,
    %swap3A_89 = vector.shape_cast %swap3A_88 : vector<16xf32> to vector<16xf32>
    %swap3A_90 = vector.shape_cast %broadcast_in_dim3A_3 : vector<16xf32> to vector<16xf32>
    tpu.vector_store %arg6[%swap3A_87], %swap3A_90 {strides = array<i32>} : memref<640xf32, #tpu.memory_space<vmem>>, vector<16xf32>,
    %swap3A_91 = arith.constant 224 : index
    %swap3A_92 = tpu.vector_load %arg6[%swap3A_91] {strides = array<i32>} : memref<640xf32, #tpu.memory_space<vmem>>, vector<16xf32>,
    %swap3A_93 = vector.shape_cast %swap3A_92 : vector<16xf32> to vector<16xf32>
    %swap3A_94 = vector.shape_cast %broadcast_in_dim3A_3 : vector<16xf32> to vector<16xf32>
    tpu.vector_store %arg6[%swap3A_91], %swap3A_94 {strides = array<i32>} : memref<640xf32, #tpu.memory_space<vmem>>, vector<16xf32>,
    %swap3A_95 = arith.constant 240 : index
    %swap3A_96 = tpu.vector_load %arg6[%swap3A_95] {strides = array<i32>} : memref<640xf32, #tpu.memory_space<vmem>>, vector<16xf32>,
    %swap3A_97 = vector.shape_cast %swap3A_96 : vector<16xf32> to vector<16xf32>
    %swap3A_98 = vector.shape_cast %broadcast_in_dim3A_3 : vector<16xf32> to vector<16xf32>
    tpu.vector_store %arg6[%swap3A_95], %swap3A_98 {strides = array<i32>} : memref<640xf32, #tpu.memory_space<vmem>>, vector<16xf32>,
    %swap3A_99 = arith.constant 256 : index
    %swap3A_100 = tpu.vector_load %arg6[%swap3A_99] {strides = array<i32>} : memref<640xf32, #tpu.memory_space<vmem>>, vector<16xf32>,
    %swap3A_101 = vector.shape_cast %swap3A_100 : vector<16xf32> to vector<16xf32>
    %swap3A_102 = vector.shape_cast %broadcast_in_dim3A_3 : vector<16xf32> to vector<16xf32>
    tpu.vector_store %arg6[%swap3A_99], %swap3A_102 {strides = array<i32>} : memref<640xf32, #tpu.memory_space<vmem>>, vector<16xf32>,
    %swap3A_103 = arith.constant 272 : index
    %swap3A_104 = tpu.vector_load %arg6[%swap3A_103] {strides = array<i32>} : memref<640xf32, #tpu.memory_space<vmem>>, vector<16xf32>,
    %swap3A_105 = vector.shape_cast %swap3A_104 : vector<16xf32> to vector<16xf32>
    %swap3A_106 = vector.shape_cast %broadcast_in_dim3A_3 : vector<16xf32> to vector<16xf32>
    tpu.vector_store %arg6[%swap3A_103], %swap3A_106 {strides = array<i32>} : memref<640xf32, #tpu.memory_space<vmem>>, vector<16xf32>,
    %swap3A_107 = arith.constant 288 : index
    %swap3A_108 = tpu.vector_load %arg6[%swap3A_107] {strides = array<i32>} : memref<640xf32, #tpu.memory_space<vmem>>, vector<16xf32>,
    %swap3A_109 = vector.shape_cast %swap3A_108 : vector<16xf32> to vector<16xf32>
    %swap3A_110 = vector.shape_cast %broadcast_in_dim3A_3 : vector<16xf32> to vector<16xf32>
    tpu.vector_store %arg6[%swap3A_107], %swap3A_110 {strides = array<i32>} : memref<640xf32, #tpu.memory_space<vmem>>, vector<16xf32>,
    %swap3A_111 = arith.constant 304 : index
    %swap3A_112 = tpu.vector_load %arg6[%swap3A_111] {strides = array<i32>} : memref<640xf32, #tpu.memory_space<vmem>>, vector<16xf32>,
    %swap3A_113 = vector.shape_cast %swap3A_112 : vector<16xf32> to vector<16xf32>
    %swap3A_114 = vector.shape_cast %broadcast_in_dim3A_3 : vector<16xf32> to vector<16xf32>
    tpu.vector_store %arg6[%swap3A_111], %swap3A_114 {strides = array<i32>} : memref<640xf32, #tpu.memory_space<vmem>>, vector<16xf32>,
    %swap3A_115 = arith.constant 320 : index
    %swap3A_116 = tpu.vector_load %arg6[%swap3A_115] {strides = array<i32>} : memref<640xf32, #tpu.memory_space<vmem>>, vector<16xf32>,
    %swap3A_117 = vector.shape_cast %swap3A_116 : vector<16xf32> to vector<16xf32>
    %swap3A_118 = vector.shape_cast %broadcast_in_dim3A_3 : vector<16xf32> to vector<16xf32>
    tpu.vector_store %arg6[%swap3A_115], %swap3A_118 {strides = array<i32>} : memref<640xf32, #tpu.memory_space<vmem>>, vector<16xf32>,
    %swap3A_119 = arith.constant 336 : index
    %swap3A_120 = tpu.vector_load %arg6[%swap3A_119] {strides = array<i32>} : memref<640xf32, #tpu.memory_space<vmem>>, vector<16xf32>,
    %swap3A_121 = vector.shape_cast %swap3A_120 : vector<16xf32> to vector<16xf32>
    %swap3A_122 = vector.shape_cast %broadcast_in_dim3A_3 : vector<16xf32> to vector<16xf32>
    tpu.vector_store %arg6[%swap3A_119], %swap3A_122 {strides = array<i32>} : memref<640xf32, #tpu.memory_space<vmem>>, vector<16xf32>,
    %swap3A_123 = arith.constant 352 : index
    %swap3A_124 = tpu.vector_load %arg6[%swap3A_123] {strides = array<i32>} : memref<640xf32, #tpu.memory_space<vmem>>, vector<16xf32>,
    %swap3A_125 = vector.shape_cast %swap3A_124 : vector<16xf32> to vector<16xf32>
    %swap3A_126 = vector.shape_cast %broadcast_in_dim3A_3 : vector<16xf32> to vector<16xf32>
    tpu.vector_store %arg6[%swap3A_123], %swap3A_126 {strides = array<i32>} : memref<640xf32, #tpu.memory_space<vmem>>, vector<16xf32>,
    %swap3A_127 = arith.constant 368 : index
    %swap3A_128 = tpu.vector_load %arg6[%swap3A_127] {strides = array<i32>} : memref<640xf32, #tpu.memory_space<vmem>>, vector<16xf32>,
    %swap3A_129 = vector.shape_cast %swap3A_128 : vector<16xf32> to vector<16xf32>
    %swap3A_130 = vector.shape_cast %broadcast_in_dim3A_3 : vector<16xf32> to vector<16xf32>
    tpu.vector_store %arg6[%swap3A_127], %swap3A_130 {strides = array<i32>} : memref<640xf32, #tpu.memory_space<vmem>>, vector<16xf32>,
    %swap3A_131 = arith.constant 384 : index
    %swap3A_132 = tpu.vector_load %arg6[%swap3A_131] {strides = array<i32>} : memref<640xf32, #tpu.memory_space<vmem>>, vector<16xf32>,
    %swap3A_133 = vector.shape_cast %swap3A_132 : vector<16xf32> to vector<16xf32>
    %swap3A_134 = vector.shape_cast %broadcast_in_dim3A_3 : vector<16xf32> to vector<16xf32>
    tpu.vector_store %arg6[%swap3A_131], %swap3A_134 {strides = array<i32>} : memref<640xf32, #tpu.memory_space<vmem>>, vector<16xf32>,
    %swap3A_135 = arith.constant 400 : index
    %swap3A_136 = tpu.vector_load %arg6[%swap3A_135] {strides = array<i32>} : memref<640xf32, #tpu.memory_space<vmem>>, vector<16xf32>,
    %swap3A_137 = vector.shape_cast %swap3A_136 : vector<16xf32> to vector<16xf32>
    %swap3A_138 = vector.shape_cast %broadcast_in_dim3A_3 : vector<16xf32> to vector<16xf32>
    tpu.vector_store %arg6[%swap3A_135], %swap3A_138 {strides = array<i32>} : memref<640xf32, #tpu.memory_space<vmem>>, vector<16xf32>,
    %swap3A_139 = arith.constant 416 : index
    %swap3A_140 = tpu.vector_load %arg6[%swap3A_139] {strides = array<i32>} : memref<640xf32, #tpu.memory_space<vmem>>, vector<16xf32>,
    %swap3A_141 = vector.shape_cast %swap3A_140 : vector<16xf32> to vector<16xf32>
    %swap3A_142 = vector.shape_cast %broadcast_in_dim3A_3 : vector<16xf32> to vector<16xf32>
    tpu.vector_store %arg6[%swap3A_139], %swap3A_142 {strides = array<i32>} : memref<640xf32, #tpu.memory_space<vmem>>, vector<16xf32>,
    %swap3A_143 = arith.constant 432 : index
    %swap3A_144 = tpu.vector_load %arg6[%swap3A_143] {strides = array<i32>} : memref<640xf32, #tpu.memory_space<vmem>>, vector<16xf32>,
    %swap3A_145 = vector.shape_cast %swap3A_144 : vector<16xf32> to vector<16xf32>
    %swap3A_146 = vector.shape_cast %broadcast_in_dim3A_3 : vector<16xf32> to vector<16xf32>
    tpu.vector_store %arg6[%swap3A_143], %swap3A_146 {strides = array<i32>} : memref<640xf32, #tpu.memory_space<vmem>>, vector<16xf32>,
    %swap3A_147 = arith.constant 448 : index
    %swap3A_148 = tpu.vector_load %arg6[%swap3A_147] {strides = array<i32>} : memref<640xf32, #tpu.memory_space<vmem>>, vector<16xf32>,
    %swap3A_149 = vector.shape_cast %swap3A_148 : vector<16xf32> to vector<16xf32>
    %swap3A_150 = vector.shape_cast %broadcast_in_dim3A_3 : vector<16xf32> to vector<16xf32>
    tpu.vector_store %arg6[%swap3A_147], %swap3A_150 {strides = array<i32>} : memref<640xf32, #tpu.memory_space<vmem>>, vector<16xf32>,
    %swap3A_151 = arith.constant 464 : index
    %swap3A_152 = tpu.vector_load %arg6[%swap3A_151] {strides = array<i32>} : memref<640xf32, #tpu.memory_space<vmem>>, vector<16xf32>,
    %swap3A_153 = vector.shape_cast %swap3A_152 : vector<16xf32> to vector<16xf32>
    %swap3A_154 = vector.shape_cast %broadcast_in_dim3A_3 : vector<16xf32> to vector<16xf32>
    tpu.vector_store %arg6[%swap3A_151], %swap3A_154 {strides = array<i32>} : memref<640xf32, #tpu.memory_space<vmem>>, vector<16xf32>,
    %swap3A_155 = arith.constant 480 : index
    %swap3A_156 = tpu.vector_load %arg6[%swap3A_155] {strides = array<i32>} : memref<640xf32, #tpu.memory_space<vmem>>, vector<16xf32>,
    %swap3A_157 = vector.shape_cast %swap3A_156 : vector<16xf32> to vector<16xf32>
    %swap3A_158 = vector.shape_cast %broadcast_in_dim3A_3 : vector<16xf32> to vector<16xf32>
    tpu.vector_store %arg6[%swap3A_155], %swap3A_158 {strides = array<i32>} : memref<640xf32, #tpu.memory_space<vmem>>, vector<16xf32>,
    %swap3A_159 = arith.constant 496 : index
    %swap3A_160 = tpu.vector_load %arg6[%swap3A_159] {strides = array<i32>} : memref<640xf32, #tpu.memory_space<vmem>>, vector<16xf32>,
    %swap3A_161 = vector.shape_cast %swap3A_160 : vector<16xf32> to vector<16xf32>
    %swap3A_162 = vector.shape_cast %broadcast_in_dim3A_3 : vector<16xf32> to vector<16xf32>
    tpu.vector_store %arg6[%swap3A_159], %swap3A_162 {strides = array<i32>} : memref<640xf32, #tpu.memory_space<vmem>>, vector<16xf32>,
    %swap3A_163 = arith.constant 512 : index
    %swap3A_164 = tpu.vector_load %arg6[%swap3A_163] {strides = array<i32>} : memref<640xf32, #tpu.memory_space<vmem>>, vector<16xf32>,
    %swap3A_165 = vector.shape_cast %swap3A_164 : vector<16xf32> to vector<16xf32>
    %swap3A_166 = vector.shape_cast %broadcast_in_dim3A_3 : vector<16xf32> to vector<16xf32>
    tpu.vector_store %arg6[%swap3A_163], %swap3A_166 {strides = array<i32>} : memref<640xf32, #tpu.memory_space<vmem>>, vector<16xf32>,
    %swap3A_167 = arith.constant 528 : index
    %swap3A_168 = tpu.vector_load %arg6[%swap3A_167] {strides = array<i32>} : memref<640xf32, #tpu.memory_space<vmem>>, vector<16xf32>,
    %swap3A_169 = vector.shape_cast %swap3A_168 : vector<16xf32> to vector<16xf32>
    %swap3A_170 = vector.shape_cast %broadcast_in_dim3A_3 : vector<16xf32> to vector<16xf32>
    tpu.vector_store %arg6[%swap3A_167], %swap3A_170 {strides = array<i32>} : memref<640xf32, #tpu.memory_space<vmem>>, vector<16xf32>,
    %swap3A_171 = arith.constant 544 : index
    %swap3A_172 = tpu.vector_load %arg6[%swap3A_171] {strides = array<i32>} : memref<640xf32, #tpu.memory_space<vmem>>, vector<16xf32>,
    %swap3A_173 = vector.shape_cast %swap3A_172 : vector<16xf32> to vector<16xf32>
    %swap3A_174 = vector.shape_cast %broadcast_in_dim3A_3 : vector<16xf32> to vector<16xf32>
    tpu.vector_store %arg6[%swap3A_171], %swap3A_174 {strides = array<i32>} : memref<640xf32, #tpu.memory_space<vmem>>, vector<16xf32>,
    %swap3A_175 = arith.constant 560 : index
    %swap3A_176 = tpu.vector_load %arg6[%swap3A_175] {strides = array<i32>} : memref<640xf32, #tpu.memory_space<vmem>>, vector<16xf32>,
    %swap3A_177 = vector.shape_cast %swap3A_176 : vector<16xf32> to vector<16xf32>
    %swap3A_178 = vector.shape_cast %broadcast_in_dim3A_3 : vector<16xf32> to vector<16xf32>
    tpu.vector_store %arg6[%swap3A_175], %swap3A_178 {strides = array<i32>} : memref<640xf32, #tpu.memory_space<vmem>>, vector<16xf32>,
    %swap3A_179 = arith.constant 576 : index
    %swap3A_180 = tpu.vector_load %arg6[%swap3A_179] {strides = array<i32>} : memref<640xf32, #tpu.memory_space<vmem>>, vector<16xf32>,
    %swap3A_181 = vector.shape_cast %swap3A_180 : vector<16xf32> to vector<16xf32>
    %swap3A_182 = vector.shape_cast %broadcast_in_dim3A_3 : vector<16xf32> to vector<16xf32>
    tpu.vector_store %arg6[%swap3A_179], %swap3A_182 {strides = array<i32>} : memref<640xf32, #tpu.memory_space<vmem>>, vector<16xf32>,
    %swap3A_183 = arith.constant 592 : index
    %swap3A_184 = tpu.vector_load %arg6[%swap3A_183] {strides = array<i32>} : memref<640xf32, #tpu.memory_space<vmem>>, vector<16xf32>,
    %swap3A_185 = vector.shape_cast %swap3A_184 : vector<16xf32> to vector<16xf32>
    %swap3A_186 = vector.shape_cast %broadcast_in_dim3A_3 : vector<16xf32> to vector<16xf32>
    tpu.vector_store %arg6[%swap3A_183], %swap3A_186 {strides = array<i32>} : memref<640xf32, #tpu.memory_space<vmem>>, vector<16xf32>,
    %swap3A_187 = arith.constant 608 : index
    %swap3A_188 = tpu.vector_load %arg6[%swap3A_187] {strides = array<i32>} : memref<640xf32, #tpu.memory_space<vmem>>, vector<16xf32>,
    %swap3A_189 = vector.shape_cast %swap3A_188 : vector<16xf32> to vector<16xf32>
    %swap3A_190 = vector.shape_cast %broadcast_in_dim3A_3 : vector<16xf32> to vector<16xf32>
    tpu.vector_store %arg6[%swap3A_187], %swap3A_190 {strides = array<i32>} : memref<640xf32, #tpu.memory_space<vmem>>, vector<16xf32>,
    %swap3A_191 = arith.constant 624 : index
    %swap3A_192 = tpu.vector_load %arg6[%swap3A_191] {strides = array<i32>} : memref<640xf32, #tpu.memory_space<vmem>>, vector<16xf32>,
    %swap3A_193 = vector.shape_cast %swap3A_192 : vector<16xf32> to vector<16xf32>
    %swap3A_194 = vector.shape_cast %broadcast_in_dim3A_3 : vector<16xf32> to vector<16xf32>
    tpu.vector_store %arg6[%swap3A_191], %swap3A_194 {strides = array<i32>} : memref<640xf32, #tpu.memory_space<vmem>>, vector<16xf32>,
    %mul3A_195 = arith.constant 640 : i32
    %mul3A_196 = arith.muli %arg1, %mul3A_195 : i32
    "tpu.region"() ({
      %run_scoped3A_213 = tpu.sem_alloc : memref<!tpu.dma_semaphore, #tpu.memory_space<semaphore_mem>>
      %dma_start3A = tpu.memref_slice %arg7[%mul3A_196] : memref<10240xf32, #tpu.memory_space<vmem_shared>> -> memref<640xf32, #tpu.memory_space<vmem_shared>>
      %dma_start3A_214 = tpu.memref_slice %arg7[%mul3A_196] : memref<10240xf32, #tpu.memory_space<vmem_shared>> -> memref<640xf32, #tpu.memory_space<vmem_shared>>
      tpu.enqueue_dma source(%arg6 : memref<640xf32, #tpu.memory_space<vmem>>) target(%dma_start3A_214 : memref<640xf32, #tpu.memory_space<vmem_shared>>) target_semaphore(%run_scoped3A_213 : memref<!tpu.dma_semaphore, #tpu.memory_space<semaphore_mem>>)
      %dma_wait3A = tpu.memref_slice %arg7[%mul3A_196] : memref<10240xf32, #tpu.memory_space<vmem_shared>> -> memref<640xf32, #tpu.memory_space<vmem_shared>>
      %dma_wait3A_215 = tpu.memref_slice %arg7[%mul3A_196] : memref<10240xf32, #tpu.memory_space<vmem_shared>> -> memref<640xf32, #tpu.memory_space<vmem_shared>>
      tpu.wait_dma2 semaphore(%run_scoped3A_213 : memref<!tpu.dma_semaphore, #tpu.memory_space<semaphore_mem>>) src(%arg6 : memref<640xf32, #tpu.memory_space<vmem>>) dst(%dma_wait3A_215 : memref<640xf32, #tpu.memory_space<vmem_shared>>)
      tpu.yield
    }) : () -> ()
    %mul3A_197 = arith.constant 80 : i32
    %mul3A_198 = arith.muli %add3A, %mul3A_197 : i32
    %run_scoped3A = arith.constant 1 : i32
    "tpu.region"() ({
      %run_scoped3A_213 = tpu.sem_alloc : memref<!tpu.dma_semaphore, #tpu.memory_space<semaphore_mem>>
      %dma_start3A = arith.constant 0 : i32
      %dma_start3A_214 = tpu.memref_slice %arg2[%run_scoped3A, %mul3A_198, %dma_start3A] : memref<2x2560x128xi32, #tpu.memory_space<hbm>> -> memref<1x80x128xi32, #tpu.memory_space<hbm>>
      %dma_start3A_215 = tpu.memref_squeeze %dma_start3A_214 : memref<1x80x128xi32, #tpu.memory_space<hbm>> -> memref<80x128xi32, #tpu.memory_space<hbm>>
      %dma_start3A_216 = arith.constant 0 : i32
      %dma_start3A_217 = tpu.memref_slice %arg2[%run_scoped3A, %mul3A_198, %dma_start3A_216] : memref<2x2560x128xi32, #tpu.memory_space<hbm>> -> memref<1x80x128xi32, #tpu.memory_space<hbm>>
      %dma_start3A_218 = tpu.memref_squeeze %dma_start3A_217 : memref<1x80x128xi32, #tpu.memory_space<hbm>> -> memref<80x128xi32, #tpu.memory_space<hbm>>
      tpu.enqueue_dma source(%dma_start3A_218 : memref<80x128xi32, #tpu.memory_space<hbm>>) target(%arg4 : memref<80x128xi32, #tpu.memory_space<vmem>>) target_semaphore(%run_scoped3A_213 : memref<!tpu.dma_semaphore, #tpu.memory_space<semaphore_mem>>)
      %dma_wait3A = arith.constant 0 : i32
      %dma_wait3A_219 = tpu.memref_slice %arg2[%run_scoped3A, %mul3A_198, %dma_wait3A] : memref<2x2560x128xi32, #tpu.memory_space<hbm>> -> memref<1x80x128xi32, #tpu.memory_space<hbm>>
      %dma_wait3A_220 = tpu.memref_squeeze %dma_wait3A_219 : memref<1x80x128xi32, #tpu.memory_space<hbm>> -> memref<80x128xi32, #tpu.memory_space<hbm>>
      %dma_wait3A_221 = arith.constant 0 : i32
      %dma_wait3A_222 = tpu.memref_slice %arg2[%run_scoped3A, %mul3A_198, %dma_wait3A_221] : memref<2x2560x128xi32, #tpu.memory_space<hbm>> -> memref<1x80x128xi32, #tpu.memory_space<hbm>>
      %dma_wait3A_223 = tpu.memref_squeeze %dma_wait3A_222 : memref<1x80x128xi32, #tpu.memory_space<hbm>> -> memref<80x128xi32, #tpu.memory_space<hbm>>
      tpu.wait_dma2 semaphore(%run_scoped3A_213 : memref<!tpu.dma_semaphore, #tpu.memory_space<semaphore_mem>>) src(%dma_wait3A_223 : memref<80x128xi32, #tpu.memory_space<hbm>>) dst(%arg4 : memref<80x128xi32, #tpu.memory_space<vmem>>)
      tpu.yield
    }) : () -> ()
    %barrier3A = arith.constant 0 : index
    tpu.barrier barrier_id(%barrier3A)
    %scan3A = arith.constant 0 : i32
    %scan3A_199 = arith.constant 80 : i32
    %scan3A_200 = arith.addi %scan3A, %scan3A_199 : i32
    %scan3A_201 = arith.constant 1 : i32
    scf.for %scan3A_213 = %scan3A to %scan3A_200 step %scan3A_201  : i32 {
      %dma_start3A = arith.constant 0 : i32
      %dma_start3A_214 = tpu.memref_slice %arg4[%scan3A_213, %dma_start3A] : memref<80x128xi32, #tpu.memory_space<vmem>> -> memref<1x128xi32, #tpu.memory_space<vmem>>
      %dma_start3A_215 = tpu.memref_squeeze %dma_start3A_214 : memref<1x128xi32, #tpu.memory_space<vmem>> -> memref<128xi32, #tpu.memory_space<vmem>>
      %dma_start3A_216 = arith.constant 0 : i32
      %dma_start3A_217 = tpu.memref_slice %arg7[%dma_start3A_216] : memref<10240xf32, #tpu.memory_space<vmem_shared>> -> memref<10240xf32, #tpu.memory_space<vmem_shared>>
      tpu.enqueue_indirect_dma source(%arg5 : memref<128xf32, #tpu.memory_space<vmem>>) target(%dma_start3A_217 : memref<10240xf32, #tpu.memory_space<vmem_shared>>) offsets(%dma_start3A_215 : memref<128xi32, #tpu.memory_space<vmem>>) semaphore(%arg8 : memref<!tpu.dma_semaphore, #tpu.memory_space<semaphore_mem>>) {add = true}
    }
    %scan3A_202 = arith.constant 80 : i32
    %scan3A_203 = arith.constant 0 : i32
    %scan3A_204 = arith.constant 80 : i32
    %scan3A_205 = arith.addi %scan3A_203, %scan3A_204 : i32
    %scan3A_206 = arith.constant 1 : i32
    scf.for %scan3A_213 = %scan3A_203 to %scan3A_205 step %scan3A_206  : i32 {
      %dma_wait3A = arith.constant 0 : i32
      %dma_wait3A_214 = tpu.memref_slice %arg4[%scan3A_213, %dma_wait3A] : memref<80x128xi32, #tpu.memory_space<vmem>> -> memref<1x128xi32, #tpu.memory_space<vmem>>
      %dma_wait3A_215 = tpu.memref_squeeze %dma_wait3A_214 : memref<1x128xi32, #tpu.memory_space<vmem>> -> memref<128xi32, #tpu.memory_space<vmem>>
      %dma_wait3A_216 = arith.constant 0 : i32
      %dma_wait3A_217 = tpu.memref_slice %arg7[%dma_wait3A_216] : memref<10240xf32, #tpu.memory_space<vmem_shared>> -> memref<10240xf32, #tpu.memory_space<vmem_shared>>
      tpu.wait_indirect_dma semaphore(%arg8 : memref<!tpu.dma_semaphore, #tpu.memory_space<semaphore_mem>>) src(%arg5 : memref<128xf32, #tpu.memory_space<vmem>>) dst(%dma_wait3A_217 : memref<10240xf32, #tpu.memory_space<vmem_shared>>)
    }
    %scan3A_207 = arith.constant 80 : i32
    %barrier3A_208 = arith.constant 0 : index
    tpu.barrier barrier_id(%barrier3A_208)
    %mul3A_209 = arith.constant 640 : i32
    %mul3A_210 = arith.muli %arg1, %mul3A_209 : i32
    %mul3A_211 = arith.constant 640 : i32
    %mul3A_212 = arith.muli %arg1, %mul3A_211 : i32
    "tpu.region"() ({
      %run_scoped3A_213 = tpu.sem_alloc : memref<!tpu.dma_semaphore, #tpu.memory_space<semaphore_mem>>
      %dma_start3A = tpu.memref_slice %arg3[%arg0, %mul3A_212] : memref<2x10240xf32, #tpu.memory_space<hbm>> -> memref<1x640xf32, #tpu.memory_space<hbm>>
      %dma_start3A_214 = tpu.memref_squeeze %dma_start3A : memref<1x640xf32, #tpu.memory_space<hbm>> -> memref<640xf32, #tpu.memory_space<hbm>>
      %dma_start3A_215 = tpu.memref_slice %arg7[%mul3A_210] : memref<10240xf32, #tpu.memory_space<vmem_shared>> -> memref<640xf32, #tpu.memory_space<vmem_shared>>
      tpu.enqueue_dma source(%dma_start3A_215 : memref<640xf32, #tpu.memory_space<vmem_shared>>) target(%dma_start3A_214 : memref<640xf32, #tpu.memory_space<hbm>>) target_semaphore(%run_scoped3A_213 : memref<!tpu.dma_semaphore, #tpu.memory_space<semaphore_mem>>)
      %dma_wait3A = tpu.memref_slice %arg3[%arg0, %mul3A_212] : memref<2x10240xf32, #tpu.memory_space<hbm>> -> memref<1x640xf32, #tpu.memory_space<hbm>>
      %dma_wait3A_216 = tpu.memref_squeeze %dma_wait3A : memref<1x640xf32, #tpu.memory_space<hbm>> -> memref<640xf32, #tpu.memory_space<hbm>>
      %dma_wait3A_217 = tpu.memref_slice %arg7[%mul3A_210] : memref<10240xf32, #tpu.memory_space<vmem_shared>> -> memref<640xf32, #tpu.memory_space<vmem_shared>>
      tpu.wait_dma2 semaphore(%run_scoped3A_213 : memref<!tpu.dma_semaphore, #tpu.memory_space<semaphore_mem>>) src(%dma_wait3A_217 : memref<640xf32, #tpu.memory_space<vmem_shared>>) dst(%dma_wait3A_216 : memref<640xf32, #tpu.memory_space<hbm>>)
      tpu.yield
    }) : () -> ()
    return
  }
}

#map = affine_map<(d0, d1) -> (0, 0)>
#map1 = affine_map<(d0, d1) -> (0, 0, 0)>
module attributes {stable_mosaic.version = 14 : i64} {
  func.func @_agg_kernel(%arg0: i32, %arg1: i32, %arg2: memref<10000x128xf32, #tpu.memory_space<hbm>>, %arg3: memref<2x2560x128xi32, #tpu.memory_space<hbm>>, %arg4: memref<640x128xf32, #tpu.memory_space<hbm>>, %arg5: memref<2x10240x128xf32, #tpu.memory_space<hbm>>, %arg6: memref<80x128xi32, #tpu.memory_space<vmem>>, %arg7: memref<128xi32, #tpu.memory_space<vmem>>, %arg8: memref<128xi32, #tpu.memory_space<vmem>>, %arg9: memref<128x128xf32, #tpu.memory_space<vmem>>, %arg10: memref<128x128xf32, #tpu.memory_space<vmem>>, %arg11: memref<10240x128xf32, #tpu.memory_space<vmem_shared>>, %arg12: memref<!tpu.dma_semaphore, #tpu.memory_space<semaphore_mem>>, %arg13: memref<!tpu.dma_semaphore, #tpu.memory_space<semaphore_mem>>, %arg14: memref<!tpu.dma_semaphore, #tpu.memory_space<semaphore_mem>>, %arg15: memref<!tpu.dma_semaphore, #tpu.memory_space<semaphore_mem>>) attributes {dimension_semantics = [#tpu.dimension_semantics<core_parallel>, #tpu.dimension_semantics<subcore_parallel>], iteration_bounds = array<i64: 2, 16>, scalar_prefetch = 0 : i64, scratch_operands = 10 : i64, tpu.core_type = #tpu.core_type<sc_vector_subcore>, window_params = [{transform_indices = #map}, {transform_indices = #map1}, {transform_indices = #map}, {transform_indices = #map1}]} {
    %mul3A = arith.constant 16 : i32
    %mul3A_0 = arith.muli %arg0, %mul3A : i32
    %add3A = arith.addi %mul3A_0, %arg1 : i32
    %mul3A_1 = arith.constant 80 : i32
    %mul3A_2 = arith.muli %add3A, %mul3A_1 : i32
    %mul3A_3 = arith.constant 640 : i32
    %mul3A_4 = arith.muli %arg1, %mul3A_3 : i32
    "tpu.region"() ({
      %run_scoped3A_33 = tpu.sem_alloc : memref<!tpu.dma_semaphore, #tpu.memory_space<semaphore_mem>>
      %dma_start3A_34 = arith.constant 0 : i32
      %dma_start3A_35 = tpu.memref_slice %arg11[%mul3A_4, %dma_start3A_34] : memref<10240x128xf32, #tpu.memory_space<vmem_shared>> -> memref<640x128xf32, #tpu.memory_space<vmem_shared>>
      tpu.enqueue_dma source(%arg4 : memref<640x128xf32, #tpu.memory_space<hbm>>) target(%dma_start3A_35 : memref<640x128xf32, #tpu.memory_space<vmem_shared>>) target_semaphore(%run_scoped3A_33 : memref<!tpu.dma_semaphore, #tpu.memory_space<semaphore_mem>>)
      %dma_wait3A = arith.constant 0 : i32
      %dma_wait3A_36 = tpu.memref_slice %arg11[%mul3A_4, %dma_wait3A] : memref<10240x128xf32, #tpu.memory_space<vmem_shared>> -> memref<640x128xf32, #tpu.memory_space<vmem_shared>>
      tpu.wait_dma2 semaphore(%run_scoped3A_33 : memref<!tpu.dma_semaphore, #tpu.memory_space<semaphore_mem>>) src(%arg4 : memref<640x128xf32, #tpu.memory_space<hbm>>) dst(%dma_wait3A_36 : memref<640x128xf32, #tpu.memory_space<vmem_shared>>)
      tpu.yield
    }) : () -> ()
    %mul3A_5 = arith.constant 80 : i32
    %mul3A_6 = arith.muli %add3A, %mul3A_5 : i32
    %run_scoped3A = arith.constant 0 : i32
    "tpu.region"() ({
      %run_scoped3A_33 = tpu.sem_alloc : memref<!tpu.dma_semaphore, #tpu.memory_space<semaphore_mem>>
      %dma_start3A_34 = arith.constant 0 : i32
      %dma_start3A_35 = tpu.memref_slice %arg3[%run_scoped3A, %mul3A_6, %dma_start3A_34] : memref<2x2560x128xi32, #tpu.memory_space<hbm>> -> memref<1x80x128xi32, #tpu.memory_space<hbm>>
      %dma_start3A_36 = tpu.memref_squeeze %dma_start3A_35 : memref<1x80x128xi32, #tpu.memory_space<hbm>> -> memref<80x128xi32, #tpu.memory_space<hbm>>
      %dma_start3A_37 = arith.constant 0 : i32
      %dma_start3A_38 = tpu.memref_slice %arg3[%run_scoped3A, %mul3A_6, %dma_start3A_37] : memref<2x2560x128xi32, #tpu.memory_space<hbm>> -> memref<1x80x128xi32, #tpu.memory_space<hbm>>
      %dma_start3A_39 = tpu.memref_squeeze %dma_start3A_38 : memref<1x80x128xi32, #tpu.memory_space<hbm>> -> memref<80x128xi32, #tpu.memory_space<hbm>>
      tpu.enqueue_dma source(%dma_start3A_39 : memref<80x128xi32, #tpu.memory_space<hbm>>) target(%arg6 : memref<80x128xi32, #tpu.memory_space<vmem>>) target_semaphore(%run_scoped3A_33 : memref<!tpu.dma_semaphore, #tpu.memory_space<semaphore_mem>>)
      %dma_wait3A = arith.constant 0 : i32
      %dma_wait3A_40 = tpu.memref_slice %arg3[%run_scoped3A, %mul3A_6, %dma_wait3A] : memref<2x2560x128xi32, #tpu.memory_space<hbm>> -> memref<1x80x128xi32, #tpu.memory_space<hbm>>
      %dma_wait3A_41 = tpu.memref_squeeze %dma_wait3A_40 : memref<1x80x128xi32, #tpu.memory_space<hbm>> -> memref<80x128xi32, #tpu.memory_space<hbm>>
      %dma_wait3A_42 = arith.constant 0 : i32
      %dma_wait3A_43 = tpu.memref_slice %arg3[%run_scoped3A, %mul3A_6, %dma_wait3A_42] : memref<2x2560x128xi32, #tpu.memory_space<hbm>> -> memref<1x80x128xi32, #tpu.memory_space<hbm>>
      %dma_wait3A_44 = tpu.memref_squeeze %dma_wait3A_43 : memref<1x80x128xi32, #tpu.memory_space<hbm>> -> memref<80x128xi32, #tpu.memory_space<hbm>>
      tpu.wait_dma2 semaphore(%run_scoped3A_33 : memref<!tpu.dma_semaphore, #tpu.memory_space<semaphore_mem>>) src(%dma_wait3A_44 : memref<80x128xi32, #tpu.memory_space<hbm>>) dst(%arg6 : memref<80x128xi32, #tpu.memory_space<vmem>>)
      tpu.yield
    }) : () -> ()
    %barrier3A = arith.constant 0 : index
    tpu.barrier barrier_id(%barrier3A)
    %dma_start3A = arith.constant 0 : i32
    %dma_start3A_7 = arith.constant 0 : i32
    %dma_start3A_8 = tpu.memref_slice %arg6[%dma_start3A, %dma_start3A_7] : memref<80x128xi32, #tpu.memory_space<vmem>> -> memref<1x128xi32, #tpu.memory_space<vmem>>
    %dma_start3A_9 = tpu.memref_squeeze %dma_start3A_8 : memref<1x128xi32, #tpu.memory_space<vmem>> -> memref<128xi32, #tpu.memory_space<vmem>>
    %dma_start3A_10 = arith.constant 0 : i32
    %dma_start3A_11 = arith.constant 0 : i32
    %dma_start3A_12 = tpu.memref_slice %arg2[%dma_start3A_10, %dma_start3A_11] : memref<10000x128xf32, #tpu.memory_space<hbm>> -> memref<10000x128xf32, #tpu.memory_space<hbm>>
    tpu.enqueue_indirect_dma source(%dma_start3A_12 : memref<10000x128xf32, #tpu.memory_space<hbm>>) target(%arg9 : memref<128x128xf32, #tpu.memory_space<vmem>>) offsets(%dma_start3A_9 : memref<128xi32, #tpu.memory_space<vmem>>) semaphore(%arg12 : memref<!tpu.dma_semaphore, #tpu.memory_space<semaphore_mem>>)
    %add3A_13 = arith.constant 0 : i32
    %add3A_14 = arith.addi %mul3A_2, %add3A_13 : i32
    %dma_start3A_15 = arith.constant 1 : i32
    %dma_start3A_16 = arith.constant 0 : i32
    %dma_start3A_17 = tpu.memref_slice %arg3[%dma_start3A_15, %add3A_14, %dma_start3A_16] : memref<2x2560x128xi32, #tpu.memory_space<hbm>> -> memref<1x1x128xi32, #tpu.memory_space<hbm>>
    %dma_start3A_18 = tpu.memref_squeeze %dma_start3A_17 : memref<1x1x128xi32, #tpu.memory_space<hbm>> -> memref<128xi32, #tpu.memory_space<hbm>>
    %dma_start3A_19 = arith.constant 0 : i32
    %dma_start3A_20 = tpu.memref_slice %arg3[%dma_start3A_15, %add3A_14, %dma_start3A_19] : memref<2x2560x128xi32, #tpu.memory_space<hbm>> -> memref<1x1x128xi32, #tpu.memory_space<hbm>>
    %dma_start3A_21 = tpu.memref_squeeze %dma_start3A_20 : memref<1x1x128xi32, #tpu.memory_space<hbm>> -> memref<128xi32, #tpu.memory_space<hbm>>
    tpu.enqueue_dma source(%dma_start3A_21 : memref<128xi32, #tpu.memory_space<hbm>>) target(%arg7 : memref<128xi32, #tpu.memory_space<vmem>>) target_semaphore(%arg14 : memref<!tpu.dma_semaphore, #tpu.memory_space<semaphore_mem>>)
    %scan3A = arith.constant 0 : i32
    %scan3A_22 = arith.constant 0 : i32
    %scan3A_23 = arith.constant 40 : i32
    %scan3A_24 = arith.addi %scan3A_22, %scan3A_23 : i32
    %scan3A_25 = arith.constant 1 : i32
    %scan3A_26 = scf.for %scan3A_33 = %scan3A_22 to %scan3A_24 step %scan3A_25 iter_args(%scan3A_34 = %scan3A) -> (i32)  : i32 {
      %add3A_35 = arith.constant 1 : i32
      %add3A_36 = arith.addi %scan3A_34, %add3A_35 : i32
      %dma_start3A_37 = arith.constant 0 : i32
      %dma_start3A_38 = tpu.memref_slice %arg6[%add3A_36, %dma_start3A_37] : memref<80x128xi32, #tpu.memory_space<vmem>> -> memref<1x128xi32, #tpu.memory_space<vmem>>
      %dma_start3A_39 = tpu.memref_squeeze %dma_start3A_38 : memref<1x128xi32, #tpu.memory_space<vmem>> -> memref<128xi32, #tpu.memory_space<vmem>>
      %dma_start3A_40 = arith.constant 0 : i32
      %dma_start3A_41 = arith.constant 0 : i32
      %dma_start3A_42 = tpu.memref_slice %arg2[%dma_start3A_40, %dma_start3A_41] : memref<10000x128xf32, #tpu.memory_space<hbm>> -> memref<10000x128xf32, #tpu.memory_space<hbm>>
      tpu.enqueue_indirect_dma source(%dma_start3A_42 : memref<10000x128xf32, #tpu.memory_space<hbm>>) target(%arg10 : memref<128x128xf32, #tpu.memory_space<vmem>>) offsets(%dma_start3A_39 : memref<128xi32, #tpu.memory_space<vmem>>) semaphore(%arg13 : memref<!tpu.dma_semaphore, #tpu.memory_space<semaphore_mem>>)
      %add3A_43 = arith.addi %mul3A_2, %add3A_36 : i32
      %dma_start3A_44 = arith.constant 1 : i32
      %dma_start3A_45 = arith.constant 0 : i32
      %dma_start3A_46 = tpu.memref_slice %arg3[%dma_start3A_44, %add3A_43, %dma_start3A_45] : memref<2x2560x128xi32, #tpu.memory_space<hbm>> -> memref<1x1x128xi32, #tpu.memory_space<hbm>>
      %dma_start3A_47 = tpu.memref_squeeze %dma_start3A_46 : memref<1x1x128xi32, #tpu.memory_space<hbm>> -> memref<128xi32, #tpu.memory_space<hbm>>
      %dma_start3A_48 = arith.constant 0 : i32
      %dma_start3A_49 = tpu.memref_slice %arg3[%dma_start3A_44, %add3A_43, %dma_start3A_48] : memref<2x2560x128xi32, #tpu.memory_space<hbm>> -> memref<1x1x128xi32, #tpu.memory_space<hbm>>
      %dma_start3A_50 = tpu.memref_squeeze %dma_start3A_49 : memref<1x1x128xi32, #tpu.memory_space<hbm>> -> memref<128xi32, #tpu.memory_space<hbm>>
      tpu.enqueue_dma source(%dma_start3A_50 : memref<128xi32, #tpu.memory_space<hbm>>) target(%arg8 : memref<128xi32, #tpu.memory_space<vmem>>) target_semaphore(%arg15 : memref<!tpu.dma_semaphore, #tpu.memory_space<semaphore_mem>>)
      %dma_wait3A = arith.constant 0 : i32
      %dma_wait3A_51 = tpu.memref_slice %arg6[%scan3A_34, %dma_wait3A] : memref<80x128xi32, #tpu.memory_space<vmem>> -> memref<1x128xi32, #tpu.memory_space<vmem>>
      %dma_wait3A_52 = tpu.memref_squeeze %dma_wait3A_51 : memref<1x128xi32, #tpu.memory_space<vmem>> -> memref<128xi32, #tpu.memory_space<vmem>>
      %dma_wait3A_53 = arith.constant 0 : i32
      %dma_wait3A_54 = arith.constant 0 : i32
      %dma_wait3A_55 = tpu.memref_slice %arg2[%dma_wait3A_53, %dma_wait3A_54] : memref<10000x128xf32, #tpu.memory_space<hbm>> -> memref<10000x128xf32, #tpu.memory_space<hbm>>
      tpu.wait_indirect_dma semaphore(%arg12 : memref<!tpu.dma_semaphore, #tpu.memory_space<semaphore_mem>>) src(%dma_wait3A_55 : memref<10000x128xf32, #tpu.memory_space<hbm>>) dst(%arg9 : memref<128x128xf32, #tpu.memory_space<vmem>>)
      %add3A_56 = arith.addi %mul3A_2, %scan3A_34 : i32
      %dma_wait3A_57 = arith.constant 1 : i32
      %dma_wait3A_58 = arith.constant 0 : i32
      %dma_wait3A_59 = tpu.memref_slice %arg3[%dma_wait3A_57, %add3A_56, %dma_wait3A_58] : memref<2x2560x128xi32, #tpu.memory_space<hbm>> -> memref<1x1x128xi32, #tpu.memory_space<hbm>>
      %dma_wait3A_60 = tpu.memref_squeeze %dma_wait3A_59 : memref<1x1x128xi32, #tpu.memory_space<hbm>> -> memref<128xi32, #tpu.memory_space<hbm>>
      %dma_wait3A_61 = arith.constant 0 : i32
      %dma_wait3A_62 = tpu.memref_slice %arg3[%dma_wait3A_57, %add3A_56, %dma_wait3A_61] : memref<2x2560x128xi32, #tpu.memory_space<hbm>> -> memref<1x1x128xi32, #tpu.memory_space<hbm>>
      %dma_wait3A_63 = tpu.memref_squeeze %dma_wait3A_62 : memref<1x1x128xi32, #tpu.memory_space<hbm>> -> memref<128xi32, #tpu.memory_space<hbm>>
      tpu.wait_dma2 semaphore(%arg14 : memref<!tpu.dma_semaphore, #tpu.memory_space<semaphore_mem>>) src(%dma_wait3A_63 : memref<128xi32, #tpu.memory_space<hbm>>) dst(%arg7 : memref<128xi32, #tpu.memory_space<vmem>>)
      "tpu.region"() ({
        %run_scoped3A_84 = tpu.sem_alloc : memref<!tpu.dma_semaphore, #tpu.memory_space<semaphore_mem>>
        %dma_start3A_85 = arith.constant 0 : i32
        %dma_start3A_86 = arith.constant 0 : i32
        %dma_start3A_87 = tpu.memref_slice %arg11[%dma_start3A_85, %dma_start3A_86] : memref<10240x128xf32, #tpu.memory_space<vmem_shared>> -> memref<10240x128xf32, #tpu.memory_space<vmem_shared>>
        tpu.enqueue_indirect_dma source(%arg9 : memref<128x128xf32, #tpu.memory_space<vmem>>) target(%dma_start3A_87 : memref<10240x128xf32, #tpu.memory_space<vmem_shared>>) offsets(%arg7 : memref<128xi32, #tpu.memory_space<vmem>>) semaphore(%run_scoped3A_84 : memref<!tpu.dma_semaphore, #tpu.memory_space<semaphore_mem>>) {add = true}
        %dma_wait3A_88 = arith.constant 0 : i32
        %dma_wait3A_89 = arith.constant 0 : i32
        %dma_wait3A_90 = tpu.memref_slice %arg11[%dma_wait3A_88, %dma_wait3A_89] : memref<10240x128xf32, #tpu.memory_space<vmem_shared>> -> memref<10240x128xf32, #tpu.memory_space<vmem_shared>>
        tpu.wait_indirect_dma semaphore(%run_scoped3A_84 : memref<!tpu.dma_semaphore, #tpu.memory_space<semaphore_mem>>) src(%arg9 : memref<128x128xf32, #tpu.memory_space<vmem>>) dst(%dma_wait3A_90 : memref<10240x128xf32, #tpu.memory_space<vmem_shared>>)
        tpu.yield
      }) : () -> ()
      %add3A_64 = arith.constant 2 : i32
      %add3A_65 = arith.addi %scan3A_34, %add3A_64 : i32
      %lt3A = arith.constant 80 : i32
      %lt3A_66 = arith.cmpi slt, %add3A_65, %lt3A : i32
      %convert_element_type3A = arith.extui %lt3A_66 : i1 to i32
      %cond3A = arith.constant 0 : i32
      %cond3A_67 = arith.cmpi ne, %convert_element_type3A, %cond3A : i32
      scf.if %cond3A_67 {
        %add3A_84 = arith.constant 2 : i32
        %add3A_85 = arith.addi %scan3A_34, %add3A_84 : i32
        %dma_start3A_86 = arith.constant 0 : i32
        %dma_start3A_87 = tpu.memref_slice %arg6[%add3A_85, %dma_start3A_86] : memref<80x128xi32, #tpu.memory_space<vmem>> -> memref<1x128xi32, #tpu.memory_space<vmem>>
        %dma_start3A_88 = tpu.memref_squeeze %dma_start3A_87 : memref<1x128xi32, #tpu.memory_space<vmem>> -> memref<128xi32, #tpu.memory_space<vmem>>
        %dma_start3A_89 = arith.constant 0 : i32
        %dma_start3A_90 = arith.constant 0 : i32
        %dma_start3A_91 = tpu.memref_slice %arg2[%dma_start3A_89, %dma_start3A_90] : memref<10000x128xf32, #tpu.memory_space<hbm>> -> memref<10000x128xf32, #tpu.memory_space<hbm>>
        tpu.enqueue_indirect_dma source(%dma_start3A_91 : memref<10000x128xf32, #tpu.memory_space<hbm>>) target(%arg9 : memref<128x128xf32, #tpu.memory_space<vmem>>) offsets(%dma_start3A_88 : memref<128xi32, #tpu.memory_space<vmem>>) semaphore(%arg12 : memref<!tpu.dma_semaphore, #tpu.memory_space<semaphore_mem>>)
        %add3A_92 = arith.constant 2 : i32
        %add3A_93 = arith.addi %scan3A_34, %add3A_92 : i32
        %add3A_94 = arith.addi %mul3A_2, %add3A_93 : i32
        %dma_start3A_95 = arith.constant 1 : i32
        %dma_start3A_96 = arith.constant 0 : i32
        %dma_start3A_97 = tpu.memref_slice %arg3[%dma_start3A_95, %add3A_94, %dma_start3A_96] : memref<2x2560x128xi32, #tpu.memory_space<hbm>> -> memref<1x1x128xi32, #tpu.memory_space<hbm>>
        %dma_start3A_98 = tpu.memref_squeeze %dma_start3A_97 : memref<1x1x128xi32, #tpu.memory_space<hbm>> -> memref<128xi32, #tpu.memory_space<hbm>>
        %dma_start3A_99 = arith.constant 0 : i32
        %dma_start3A_100 = tpu.memref_slice %arg3[%dma_start3A_95, %add3A_94, %dma_start3A_99] : memref<2x2560x128xi32, #tpu.memory_space<hbm>> -> memref<1x1x128xi32, #tpu.memory_space<hbm>>
        %dma_start3A_101 = tpu.memref_squeeze %dma_start3A_100 : memref<1x1x128xi32, #tpu.memory_space<hbm>> -> memref<128xi32, #tpu.memory_space<hbm>>
        tpu.enqueue_dma source(%dma_start3A_101 : memref<128xi32, #tpu.memory_space<hbm>>) target(%arg7 : memref<128xi32, #tpu.memory_space<vmem>>) target_semaphore(%arg14 : memref<!tpu.dma_semaphore, #tpu.memory_space<semaphore_mem>>)
      } else {
      }
      %dma_wait3A_68 = arith.constant 0 : i32
      %dma_wait3A_69 = tpu.memref_slice %arg6[%add3A_36, %dma_wait3A_68] : memref<80x128xi32, #tpu.memory_space<vmem>> -> memref<1x128xi32, #tpu.memory_space<vmem>>
      %dma_wait3A_70 = tpu.memref_squeeze %dma_wait3A_69 : memref<1x128xi32, #tpu.memory_space<vmem>> -> memref<128xi32, #tpu.memory_space<vmem>>
      %dma_wait3A_71 = arith.constant 0 : i32
      %dma_wait3A_72 = arith.constant 0 : i32
      %dma_wait3A_73 = tpu.memref_slice %arg2[%dma_wait3A_71, %dma_wait3A_72] : memref<10000x128xf32, #tpu.memory_space<hbm>> -> memref<10000x128xf32, #tpu.memory_space<hbm>>
      tpu.wait_indirect_dma semaphore(%arg13 : memref<!tpu.dma_semaphore, #tpu.memory_space<semaphore_mem>>) src(%dma_wait3A_73 : memref<10000x128xf32, #tpu.memory_space<hbm>>) dst(%arg10 : memref<128x128xf32, #tpu.memory_space<vmem>>)
      %add3A_74 = arith.addi %mul3A_2, %add3A_36 : i32
      %dma_wait3A_75 = arith.constant 1 : i32
      %dma_wait3A_76 = arith.constant 0 : i32
      %dma_wait3A_77 = tpu.memref_slice %arg3[%dma_wait3A_75, %add3A_74, %dma_wait3A_76] : memref<2x2560x128xi32, #tpu.memory_space<hbm>> -> memref<1x1x128xi32, #tpu.memory_space<hbm>>
      %dma_wait3A_78 = tpu.memref_squeeze %dma_wait3A_77 : memref<1x1x128xi32, #tpu.memory_space<hbm>> -> memref<128xi32, #tpu.memory_space<hbm>>
      %dma_wait3A_79 = arith.constant 0 : i32
      %dma_wait3A_80 = tpu.memref_slice %arg3[%dma_wait3A_75, %add3A_74, %dma_wait3A_79] : memref<2x2560x128xi32, #tpu.memory_space<hbm>> -> memref<1x1x128xi32, #tpu.memory_space<hbm>>
      %dma_wait3A_81 = tpu.memref_squeeze %dma_wait3A_80 : memref<1x1x128xi32, #tpu.memory_space<hbm>> -> memref<128xi32, #tpu.memory_space<hbm>>
      tpu.wait_dma2 semaphore(%arg15 : memref<!tpu.dma_semaphore, #tpu.memory_space<semaphore_mem>>) src(%dma_wait3A_81 : memref<128xi32, #tpu.memory_space<hbm>>) dst(%arg8 : memref<128xi32, #tpu.memory_space<vmem>>)
      "tpu.region"() ({
        %run_scoped3A_84 = tpu.sem_alloc : memref<!tpu.dma_semaphore, #tpu.memory_space<semaphore_mem>>
        %dma_start3A_85 = arith.constant 0 : i32
        %dma_start3A_86 = arith.constant 0 : i32
        %dma_start3A_87 = tpu.memref_slice %arg11[%dma_start3A_85, %dma_start3A_86] : memref<10240x128xf32, #tpu.memory_space<vmem_shared>> -> memref<10240x128xf32, #tpu.memory_space<vmem_shared>>
        tpu.enqueue_indirect_dma source(%arg10 : memref<128x128xf32, #tpu.memory_space<vmem>>) target(%dma_start3A_87 : memref<10240x128xf32, #tpu.memory_space<vmem_shared>>) offsets(%arg8 : memref<128xi32, #tpu.memory_space<vmem>>) semaphore(%run_scoped3A_84 : memref<!tpu.dma_semaphore, #tpu.memory_space<semaphore_mem>>) {add = true}
        %dma_wait3A_88 = arith.constant 0 : i32
        %dma_wait3A_89 = arith.constant 0 : i32
        %dma_wait3A_90 = tpu.memref_slice %arg11[%dma_wait3A_88, %dma_wait3A_89] : memref<10240x128xf32, #tpu.memory_space<vmem_shared>> -> memref<10240x128xf32, #tpu.memory_space<vmem_shared>>
        tpu.wait_indirect_dma semaphore(%run_scoped3A_84 : memref<!tpu.dma_semaphore, #tpu.memory_space<semaphore_mem>>) src(%arg10 : memref<128x128xf32, #tpu.memory_space<vmem>>) dst(%dma_wait3A_90 : memref<10240x128xf32, #tpu.memory_space<vmem_shared>>)
        tpu.yield
      }) : () -> ()
      %add3A_82 = arith.constant 2 : i32
      %add3A_83 = arith.addi %scan3A_34, %add3A_82 : i32
      scf.yield %add3A_83 : i32
    }
    %scan3A_27 = arith.constant 40 : i32
    %barrier3A_28 = arith.constant 0 : index
    tpu.barrier barrier_id(%barrier3A_28)
    %mul3A_29 = arith.constant 640 : i32
    %mul3A_30 = arith.muli %arg1, %mul3A_29 : i32
    %mul3A_31 = arith.constant 640 : i32
    %mul3A_32 = arith.muli %arg1, %mul3A_31 : i32
    "tpu.region"() ({
      %run_scoped3A_33 = tpu.sem_alloc : memref<!tpu.dma_semaphore, #tpu.memory_space<semaphore_mem>>
      %dma_start3A_34 = arith.constant 0 : i32
      %dma_start3A_35 = tpu.memref_slice %arg5[%arg0, %mul3A_32, %dma_start3A_34] : memref<2x10240x128xf32, #tpu.memory_space<hbm>> -> memref<1x640x128xf32, #tpu.memory_space<hbm>>
      %dma_start3A_36 = tpu.memref_squeeze %dma_start3A_35 : memref<1x640x128xf32, #tpu.memory_space<hbm>> -> memref<640x128xf32, #tpu.memory_space<hbm>>
      %dma_start3A_37 = arith.constant 0 : i32
      %dma_start3A_38 = tpu.memref_slice %arg11[%mul3A_30, %dma_start3A_37] : memref<10240x128xf32, #tpu.memory_space<vmem_shared>> -> memref<640x128xf32, #tpu.memory_space<vmem_shared>>
      tpu.enqueue_dma source(%dma_start3A_38 : memref<640x128xf32, #tpu.memory_space<vmem_shared>>) target(%dma_start3A_36 : memref<640x128xf32, #tpu.memory_space<hbm>>) target_semaphore(%run_scoped3A_33 : memref<!tpu.dma_semaphore, #tpu.memory_space<semaphore_mem>>)
      %dma_wait3A = arith.constant 0 : i32
      %dma_wait3A_39 = tpu.memref_slice %arg5[%arg0, %mul3A_32, %dma_wait3A] : memref<2x10240x128xf32, #tpu.memory_space<hbm>> -> memref<1x640x128xf32, #tpu.memory_space<hbm>>
      %dma_wait3A_40 = tpu.memref_squeeze %dma_wait3A_39 : memref<1x640x128xf32, #tpu.memory_space<hbm>> -> memref<640x128xf32, #tpu.memory_space<hbm>>
      %dma_wait3A_41 = arith.constant 0 : i32
      %dma_wait3A_42 = tpu.memref_slice %arg11[%mul3A_30, %dma_wait3A_41] : memref<10240x128xf32, #tpu.memory_space<vmem_shared>> -> memref<640x128xf32, #tpu.memory_space<vmem_shared>>
      tpu.wait_dma2 semaphore(%run_scoped3A_33 : memref<!tpu.dma_semaphore, #tpu.memory_space<semaphore_mem>>) src(%dma_wait3A_42 : memref<640x128xf32, #tpu.memory_space<vmem_shared>>) dst(%dma_wait3A_40 : memref<640x128xf32, #tpu.memory_space<hbm>>)
      tpu.yield
    }) : () -> ()
    return
  }
}

module attributes {stable_mosaic.version = 14 : i64} {
  func.func @_support_body(%arg0: i32, %arg1: memref<2048x128xf32, #tpu.memory_space<vmem>>, %arg2: memref<128x128xf32, #tpu.memory_space<vmem>>, %arg3: memref<2x2048xf32, #tpu.memory_space<vmem>>, %arg4: memref<2048x128xf32, #tpu.memory_space<vmem>>, %arg5: memref<2048x1xf32, #tpu.memory_space<vmem>>) attributes {dimension_semantics = [#tpu.dimension_semantics<arbitrary>], iteration_bounds = array<i64: 5>, scalar_prefetch = 0 : i64, scratch_operands = 0 : i64, tpu.core_type = #tpu.core_type<tc>, window_params = [{transform_indices = @transform_0, window_bounds = array<i64: 2048, 128>}, {pipeline_mode = #tpu.pipeline_mode<synchronous>, transform_indices = @transform_1, window_bounds = array<i64: 128, 128>}, {transform_indices = @transform_2, window_bounds = array<i64: 2, 2048>}, {transform_indices = @transform_3, window_bounds = array<i64: 2048, 128>}, {transform_indices = @transform_4, window_bounds = array<i64: 2048, 1>}]} {
    %get3A = arith.constant 0 : index
    %get3A_0 = arith.constant 0 : index
    %get3A_1 = vector.load %arg3[%get3A, %get3A_0] : memref<2x2048xf32, #tpu.memory_space<vmem>>, vector<1x2048xf32>
    %get3A_2 = vector.shape_cast %get3A_1 : vector<1x2048xf32> to vector<2048xf32>
    %get3A_3 = arith.constant 1 : index
    %get3A_4 = arith.constant 0 : index
    %get3A_5 = vector.load %arg3[%get3A_3, %get3A_4] : memref<2x2048xf32, #tpu.memory_space<vmem>>, vector<1x2048xf32>
    %get3A_6 = vector.shape_cast %get3A_5 : vector<1x2048xf32> to vector<2048xf32>
    %add3A = arith.addf %get3A_2, %get3A_6 : vector<2048xf32>
    %add3A_7 = arith.constant 1.000000e+00 : f32
    %add3A_8 = vector.broadcast %add3A_7 : f32 to vector<2048xf32>
    %add3A_9 = arith.addf %add3A, %add3A_8 : vector<2048xf32>
    %rsqrt3A = math.rsqrt %add3A_9 : vector<2048xf32>
    %reshape3A = vector.shape_cast %rsqrt3A : vector<2048xf32> to vector<2048x1xf32>
    %get3A_10 = arith.constant 0 : index
    %get3A_11 = arith.constant 0 : index
    %get3A_12 = vector.load %arg1[%get3A_10, %get3A_11] : memref<2048x128xf32, #tpu.memory_space<vmem>>, vector<2048x128xf32>
    %get3A_13 = arith.constant 0 : index
    %get3A_14 = arith.constant 0 : index
    %get3A_15 = vector.load %arg2[%get3A_13, %get3A_14] : memref<128x128xf32, #tpu.memory_space<vmem>>, vector<128x128xf32>
    %dot_general3A = arith.constant dense<0.000000e+00> : vector<2048x128xf32>
    %dot_general3A_16 = tpu.matmul %get3A_12, %get3A_15, %dot_general3A {dimension_numbers = #tpu.dot_dimension_numbers<[1], [1], [0], [0], [0, 0, 1, 0], [], []>, transpose_lhs_hint = false} : vector<2048x128xf32>, vector<128x128xf32>, vector<2048x128xf32> -> vector<2048x128xf32>
    %mul3A = vector.broadcast %reshape3A : vector<2048x1xf32> to vector<2048x128xf32>
    %mul3A_17 = arith.mulf %dot_general3A_16, %mul3A : vector<2048x128xf32>
    %swap3A = arith.constant 0 : index
    %swap3A_18 = arith.constant 0 : index
    %swap3A_19 = vector.load %arg4[%swap3A, %swap3A_18] : memref<2048x128xf32, #tpu.memory_space<vmem>>, vector<2048x128xf32>
    tpu.vector_store %arg4[%swap3A, %swap3A_18], %mul3A_17 {strides = array<i32>} : memref<2048x128xf32, #tpu.memory_space<vmem>>, vector<2048x128xf32>,
    %swap3A_20 = arith.constant 0 : index
    %swap3A_21 = arith.constant 0 : index
    %swap3A_22 = vector.load %arg5[%swap3A_20, %swap3A_21] : memref<2048x1xf32, #tpu.memory_space<vmem>>, vector<2048x1xf32>
    tpu.vector_store %arg5[%swap3A_20, %swap3A_21], %reshape3A {strides = array<i32>} : memref<2048x1xf32, #tpu.memory_space<vmem>>, vector<2048x1xf32>,
    return
  }
  func.func @transform_0(%arg0: i32) -> (i32, i32) {
    %c0_i32 = arith.constant 0 : i32
    %c0_i32_0 = arith.constant 0 : i32
    return %arg0, %c0_i32 : i32, i32
  }
  func.func @transform_1(%arg0: i32) -> (i32, i32) {
    %c0_i32 = arith.constant 0 : i32
    %c0_i32_0 = arith.constant 0 : i32
    %c0_i32_1 = arith.constant 0 : i32
    return %c0_i32, %c0_i32_0 : i32, i32
  }
  func.func @transform_2(%arg0: i32) -> (i32, i32) {
    %c0_i32 = arith.constant 0 : i32
    %c0_i32_0 = arith.constant 0 : i32
    return %c0_i32, %arg0 : i32, i32
  }
  func.func @transform_3(%arg0: i32) -> (i32, i32) {
    %c0_i32 = arith.constant 0 : i32
    %c0_i32_0 = arith.constant 0 : i32
    return %arg0, %c0_i32 : i32, i32
  }
  func.func @transform_4(%arg0: i32) -> (i32, i32) {
    %c0_i32 = arith.constant 0 : i32
    %c0_i32_0 = arith.constant 0 : i32
    return %arg0, %c0_i32 : i32, i32
  }
}

module attributes {stable_mosaic.version = 14 : i64} {
  func.func @_finish_body(%arg0: i32, %arg1: memref<2x2048x128xf32, #tpu.memory_space<vmem>>, %arg2: memref<2048x128xf32, #tpu.memory_space<vmem>>, %arg3: memref<2048x1xf32, #tpu.memory_space<vmem>>, %arg4: memref<1x128xf32, #tpu.memory_space<vmem>>, %arg5: memref<2048x128xf32, #tpu.memory_space<vmem>>) attributes {dimension_semantics = [#tpu.dimension_semantics<arbitrary>], iteration_bounds = array<i64: 5>, scalar_prefetch = 0 : i64, scratch_operands = 0 : i64, tpu.core_type = #tpu.core_type<tc>, window_params = [{transform_indices = @transform_0, window_bounds = array<i64: 2, 2048, 128>}, {transform_indices = @transform_1, window_bounds = array<i64: 2048, 128>}, {transform_indices = @transform_2, window_bounds = array<i64: 2048, 1>}, {pipeline_mode = #tpu.pipeline_mode<synchronous>, transform_indices = @transform_3, window_bounds = array<i64: 1, 128>}, {transform_indices = @transform_4, window_bounds = array<i64: 2048, 128>}]} {
    %get3A = arith.constant 0 : index
    %get3A_0 = arith.constant 0 : index
    %get3A_1 = arith.constant 0 : index
    %get3A_2 = vector.load %arg1[%get3A, %get3A_0, %get3A_1] : memref<2x2048x128xf32, #tpu.memory_space<vmem>>, vector<1x2048x128xf32>
    %get3A_3 = vector.shape_cast %get3A_2 : vector<1x2048x128xf32> to vector<2048x128xf32>
    %get3A_4 = arith.constant 1 : index
    %get3A_5 = arith.constant 0 : index
    %get3A_6 = arith.constant 0 : index
    %get3A_7 = vector.load %arg1[%get3A_4, %get3A_5, %get3A_6] : memref<2x2048x128xf32, #tpu.memory_space<vmem>>, vector<1x2048x128xf32>
    %get3A_8 = vector.shape_cast %get3A_7 : vector<1x2048x128xf32> to vector<2048x128xf32>
    %add3A = arith.addf %get3A_3, %get3A_8 : vector<2048x128xf32>
    %get3A_9 = arith.constant 0 : index
    %get3A_10 = arith.constant 0 : index
    %get3A_11 = vector.load %arg2[%get3A_9, %get3A_10] : memref<2048x128xf32, #tpu.memory_space<vmem>>, vector<2048x128xf32>
    %add3A_12 = arith.addf %add3A, %get3A_11 : vector<2048x128xf32>
    %get3A_13 = arith.constant 0 : index
    %get3A_14 = arith.constant 0 : index
    %get3A_15 = vector.load %arg3[%get3A_13, %get3A_14] : memref<2048x1xf32, #tpu.memory_space<vmem>>, vector<2048x1xf32>
    %mul3A = vector.broadcast %get3A_15 : vector<2048x1xf32> to vector<2048x128xf32>
    %mul3A_16 = arith.mulf %add3A_12, %mul3A : vector<2048x128xf32>
    %get3A_17 = arith.constant 0 : index
    %get3A_18 = arith.constant 0 : index
    %get3A_19 = vector.load %arg4[%get3A_17, %get3A_18] : memref<1x128xf32, #tpu.memory_space<vmem>>, vector<1x128xf32>
    %add3A_20 = vector.broadcast %get3A_19 : vector<1x128xf32> to vector<2048x128xf32>
    %add3A_21 = arith.addf %mul3A_16, %add3A_20 : vector<2048x128xf32>
    %max3A = arith.constant 0.000000e+00 : f32
    %max3A_22 = vector.broadcast %max3A : f32 to vector<2048x128xf32>
    %max3A_23 = arith.maximumf %add3A_21, %max3A_22 : vector<2048x128xf32>
    %swap3A = arith.constant 0 : index
    %swap3A_24 = arith.constant 0 : index
    %swap3A_25 = vector.load %arg5[%swap3A, %swap3A_24] : memref<2048x128xf32, #tpu.memory_space<vmem>>, vector<2048x128xf32>
    tpu.vector_store %arg5[%swap3A, %swap3A_24], %max3A_23 {strides = array<i32>} : memref<2048x128xf32, #tpu.memory_space<vmem>>, vector<2048x128xf32>,
    return
  }
  func.func @transform_0(%arg0: i32) -> (i32, i32, i32) {
    %c0_i32 = arith.constant 0 : i32
    %c0_i32_0 = arith.constant 0 : i32
    %c0_i32_1 = arith.constant 0 : i32
    return %c0_i32, %arg0, %c0_i32_0 : i32, i32, i32
  }
  func.func @transform_1(%arg0: i32) -> (i32, i32) {
    %c0_i32 = arith.constant 0 : i32
    %c0_i32_0 = arith.constant 0 : i32
    return %arg0, %c0_i32 : i32, i32
  }
  func.func @transform_2(%arg0: i32) -> (i32, i32) {
    %c0_i32 = arith.constant 0 : i32
    %c0_i32_0 = arith.constant 0 : i32
    return %arg0, %c0_i32 : i32, i32
  }
  func.func @transform_3(%arg0: i32) -> (i32, i32) {
    %c0_i32 = arith.constant 0 : i32
    %c0_i32_0 = arith.constant 0 : i32
    %c0_i32_1 = arith.constant 0 : i32
    return %c0_i32, %c0_i32_0 : i32, i32
  }
  func.func @transform_4(%arg0: i32) -> (i32, i32) {
    %c0_i32 = arith.constant 0 : i32
    %c0_i32_0 = arith.constant 0 : i32
    return %arg0, %c0_i32 : i32, i32
  }
}

</mosaic_0001>

<sc_bundles>
// kernel: kernel.6.cloned.1.call-start
scs
__scs_entry_jumppad:
0x0: {  	(pc) =	sbr.rel $0x88, $3  }
0x1: {  	(tag) =	ssettag $0x0;
	lr =	simm.s32 $0x1  }
0x2: {  	[smem:$0x3F9D] =	sst lr;
	_ =	strace $0xD0000000  }
0x3: {  	_ = 	snop  }
0x4: {  	_ = 	snop  }
0x5: {  	_ = 	snop  }
0x6: {  	_ = 	snop  }
0x7: {  	_ = 	snop  }
__scs_overlays_trampoline_lowered:
0x8: {  	[smem:$0x3FAC] =	sst s0  }
0x9: {  	[smem:$0x3FAD] =	sst s1  }
0xa: {  	[smem:$0x3FAE] =	sst s2  }
0xb: {  	[smem:$0x3FAF] =	sst s3  }
0xc: {  	[smem:$0x3FB0] =	sst s4  }
0xd: {  	[smem:$0x3FB1] =	sst s5  }
0xe: {  	[smem:$0x3FB2] =	sst s6  }
0xf: {  	[smem:$0x3FB3] =	sst s7  }
0x10: {  	[smem:$0x3FB4] =	sst s8  }
0x11: {  	[smem:$0x3FB5] =	sst s9;
	s0 =	simm.s32 @!p0 $0x0  }
0x12: {  	s1 =	sld [smem:$0x3F9B];
	s0 =	simm.s32 @p0 $0x1  }
0x13: {  	[smem:$0x3FB6] =	sst s0;
	s0 =	simm.s32 @!p1 $0x0  }
0x14: {  	s2 =	sld [smem:$0x3F9A];
	s0 =	simm.s32 @p1 $0x1  }
0x15: {  	[smem:$0x3FB7] =	sst s0;
	s0 =	simm.s32 @!p2 $0x0  }
0x16: {  	s3 =	sld [smem:$0x3FDB];
	s0 =	simm.s32 @p2 $0x1  }
0x17: {  	s4 =	simm.s32 $0x1BF5;
	[smem:$0x3FB9] =	sst s0  }
0x18: {  	s0 =	sld [smem:$0x3F9C];
	_ =	swait.ge [sflag:s4], $0x0  }
0x19: {  	s7 =	sld [smem:$0x3F9D]  }
0x1a: {  	s8 =	sadd.s32 $0xFFFFE003, lr  }
0x1b: {  	s9 =	sadd.s32 $0xFFFFFEF7, lr;
	s5 =	simm.s32 $0xFFFFFFFF;
	p2 =	slt.u32 s8, $0xFFFFF086  }
0x1c: {  	p1 =	slt.u32 s9, $0xF7A;
	s5 =	simm.s32 @!p2 $0x0  }
0x1d: {  	s5 =	simm.s32 @p1 $0x1;
	p0 =	seq.s32 s7, s2  }
0x1e: {  	s7 =	smul.u32 @!p0 $0xF7A, s2;
	p2 =	seq.s32 @!p0 s5, $0x0  }
0x1f: {  	s9 =	smul.u32 $0xF7A, s1;
	s8 =	simm.s32 @!p0 $0x1BF5;
	p2 =	por !p2, p0  }
0x20: {  	[sflag:s8] =	ssyncset.s32 @!p0 $0xFFFFF086;
	s6 =	sadd.s32 @!p0 s3, s7;
	s7 =	simm.s32 @!p0 $0x108  }
0x21: {  	s3 =	sadd.s32 s3, s9;
	s6 =	sadd.s32 @!p0 $0x88, s6;
	s7 =	simm.s32 @p2 $0x1082  }
0x22: {  	[simem:s7], [sflag:s8] =	dma.local @!p0 [hbm:s6], $0xF7A  }
0x23: {  	s9 =	sor.u32 $0xD0000000, s2;
	s6 =	simm.s32 $0x108;
	_ =	swait.ge @!p0 [sflag:s8], $0x0  }
0x24: {  	s3 =	sadd.s32 $0x88, s3;
	s6 =	simm.s32 @!p1 $0x1082;
	[sflag:s4] =	ssyncset.s32 $0xFFFFF086  }
0x25: {  	[simem:s6], [sflag:s4] =	dma.local [hbm:s3], $0xF7A  }
0x26: {  	[smem:$0x3F9D] =	sst s1;
	(tag) =	ssettag s2;
	_ =	strace s9  }
0x27: {  	s1 =	sld [smem:$0x3FAD]  }
0x28: {  	s2 =	sld [smem:$0x3FAE]  }
0x29: {  	s4 =	sld [smem:$0x3FB0]  }
0x2a: {  	p0 =	seq.s32 s5, $0x0;
	s5 =	sld [smem:$0x3FB1]  }
0x2b: {  	s6 =	sld [smem:$0x3FB2]  }
0x2c: {  	s7 =	sld [smem:$0x3FB3]  }
0x2d: {  	s3 =	simm.s32 $0x108;
	s8 =	sld [smem:$0x3FB4]  }
0x2e: {  	s3 =	simm.s32 @!p0 $0x1082;
	s9 =	sld [smem:$0x3FB5]  }
0x2f: {  	lr =	sadd.s32 s0, s3;
	s0 =	sld [smem:$0x3FAC]  }
0x30: {  	s3 =	sld [smem:$0x3FAF]  }
0x31: {  	[smem:$0x3FB8] =	sst s10  }
0x32: {  	s10 =	sld [smem:$0x3FB6];
	_ =	sdelay $0x3  }
0x33: {  	p0 =	seq.s32 s10, $0x1;
	s10 =	sld [smem:$0x3FB8];
	_ =	sdelay $0x3  }
0x34: {  	[smem:$0x3FB8] =	sst s10  }
0x35: {  	s10 =	sld [smem:$0x3FB7];
	_ =	sdelay $0x3  }
0x36: {  	p1 =	seq.s32 s10, $0x1;
	s10 =	sld [smem:$0x3FB8];
	_ =	sdelay $0x3  }
0x37: {  	[smem:$0x3FB8] =	sst s10  }
0x38: {  	s10 =	sld [smem:$0x3FB9]  }
0x39: {  	_ = 	snop;
	(pc) =	sbr.ind lr, $3  }
0x3a: {  	_ = 	snop  }
0x3b: {  	_ = 	snop  }
0x3c: {  	p2 =	seq.s32 s10, $0x1;
	s10 =	sld [smem:$0x3FB8]  }
0x3d: {  	_ =	shalt  }
0x3e: {  	_ =	shalt  }
0x3f: {  	_ =	shalt  }
0x40: {  	_ =	shalt  }
0x41: {  	_ =	shalt  }
0x42: {  	_ =	shalt  }
0x43: {  	_ =	shalt  }
0x44: {  	_ =	shalt  }
0x45: {  	_ =	shalt  }
0x46: {  	_ =	shalt  }
0x47: {  	_ =	shalt  }
0x48: {  	_ =	shalt  }
0x49: {  	_ =	shalt  }
0x4a: {  	_ =	shalt  }
0x4b: {  	_ =	shalt  }
0x4c: {  	_ =	shalt  }
0x4d: {  	_ =	shalt  }
0x4e: {  	_ =	shalt  }
0x4f: {  	_ =	shalt  }
0x50: {  	_ =	shalt  }
0x51: {  	_ =	shalt  }
0x52: {  	_ =	shalt  }
0x53: {  	_ =	shalt  }
0x54: {  	_ =	shalt  }
0x55: {  	_ =	shalt  }
0x56: {  	_ =	shalt  }
0x57: {  	_ =	shalt  }
0x58: {  	_ =	shalt  }
0x59: {  	_ =	shalt  }
0x5a: {  	_ =	shalt  }
0x5b: {  	_ =	shalt  }
0x5c: {  	_ =	shalt  }
0x5d: {  	_ =	shalt  }
0x5e: {  	_ =	shalt  }
0x5f: {  	_ =	shalt  }
0x60: {  	_ =	shalt  }
0x61: {  	_ =	shalt  }
0x62: {  	_ =	shalt  }
0x63: {  	_ =	shalt  }
0x64: {  	_ =	shalt  }
0x65: {  	_ =	shalt  }
0x66: {  	_ =	shalt  }
0x67: {  	_ =	shalt  }
0x68: {  	_ =	shalt  }
0x69: {  	_ =	shalt  }
0x6a: {  	_ =	shalt  }
0x6b: {  	_ =	shalt  }
0x6c: {  	_ =	shalt  }
0x6d: {  	_ =	shalt  }
0x6e: {  	_ =	shalt  }
0x6f: {  	_ =	shalt  }
0x70: {  	_ =	shalt  }
0x71: {  	_ =	shalt  }
0x72: {  	_ =	shalt  }
0x73: {  	_ =	shalt  }
0x74: {  	_ =	shalt  }
0x75: {  	_ =	shalt  }
0x76: {  	_ =	shalt  }
0x77: {  	_ =	shalt  }
0x78: {  	_ =	shalt  }
0x79: {  	_ =	shalt  }
0x7a: {  	_ =	shalt  }
0x7b: {  	_ =	shalt  }
0x7c: {  	_ =	shalt  }
0x7d: {  	_ =	shalt  }
0x7e: {  	_ =	shalt  }
0x7f: {  	_ =	shalt  }
0x80: {  	_ =	shalt  }
0x81: {  	_ =	shalt  }
0x82: {  	_ =	shalt  }
0x83: {  	_ =	shalt  }
0x84: {  	_ =	shalt  }
0x85: {  	_ =	shalt  }
0x86: {  	_ =	shalt  }
0x87: {  	_ =	shalt  }
.Lfunc_end0:
.L_simem_size_0:
called_computation_lowered:
.L_overlay_start_0:
0x88: {  	s2 =	sld [smem:$0x3FD9]  }
0x89: {  	s3 =	sld [smem:$0x3FFE];
	_ =	sdelay $0x1  }
0x8a: {  	s1 =	srdreg.scid  }
0x8b: {  	s0 =	sand.u32 $0x1, s1  }
0x8c: {  	s17 =	sshll.u32 s0, $0xA;
	s2 =	sadd.s32 s3, s2  }
0x8d: {  	s2 =	sadd.s32 s2, s17  }
0x8e: {  	[smem:$0x3FC4] =	sst s2  }
0x8f: {  	_ = 	snop  }
0x90: {  	s2 =	sld [smem:$0x3FD0];
	(tm) =	ssettm $0x1  }
0x91: {  	s18 =	sld [smem:$0x3FFB];
	_ =	sdelay $0x3  }
0x92: {  	_ =	strace s18  }
0x93: {  	s3 =	sld [smem:$0x3FFC];
	_ =	sdelay $0x3  }
0x94: {  	_ =	strace s3  }
0x95: {  	s3 =	sld [smem:$0x3FFD];
	_ =	sdelay $0x3  }
0x96: {  	_ =	strace s3  }
0x97: {  	_ =	strace $0x8FFFFFFF  }
0x98: {  	s19 =	sld [smem:$0x3FDB];
	_ =	sdelay $0x1  }
0x99: {  	s4 =	simm.s32 $_scs_section_size  }
0x9a: {  	s5 =	simm.s32 $_size__tile_overlayer_lowered;
	s6 =	simm.s32 $_tile_overlayer_lowered  }
0x9b: {  	s22 =	simm.s32 $0x1BFF;
	s21 =	sshll.u32 s6, $0x1;
	s3 =	sadd.s32 s4, s19  }
0x9c: {  	s7 =	simm.s32 $0x0;
	s20 =	sshll.u32 s5, $0x1;
	s5 =	sadd.s32 s21, s3  }
0x9d: {  	[timem:s7], [sflag:s22] =	dma.local [hbm:s5], s20  }
0x9e: {  	_ =	swait.ge [sflag:s22], s20  }
0x9f: {  	s4 =	ssub.s32 $0x0, s20;
	[sflag:s22] =	ssyncset.done $0x0  }
0xa0: {  	[sflag:s22] =	ssyncadd.s32 s4;
	_ =	sdelay $0x1  }
0xa1: {  	s23 =	simm.s32 $0x1B8B  }
0xa2: {  	_ =	swait.ge [sflag:s23], $0x1  }
0xa3: {  	[sflag:s23] =	ssyncset.done $0x0  }
0xa4: {  	s25 =	simm.s32 $0x1B8E;
	s24 =	sld [smem:$0x3FFE];
	[sflag:s23] =	ssyncadd.s32 $0xFFFFFFFF  }
0xa5: {  	s26 =	simm.s32 $execute0_lowered;
	[smem:$0x3FD2] =	sst s25  }
0xa6: {  	s5 =	sshll.u32 s26, $0x1;
	_ =	strace $0x80000046;
	[dreg:$0x1] =	wrdreg $0xFFFFFFFF  }
0xa7: {  	s28 =	simm.s32 $_size_execute0_lowered;
	s3 =	sadd.s32 s3, s5;
	[dreg:$0x0] =	wrdreg $0x0  }
0xa8: {  	s5 =	sshll.u32 s28, $0x1;
	[dreg:$0x2] =	wrdreg s3  }
0xa9: {  	[dreg:$0x3] =	wrdreg s5  }
0xaa: {  	[dreg:$0x4] =	wrdreg $0xC0  }
0xab: {  	_ =	task [dreg:s7], $0x5FFFF  }
0xac: {  	[dreg:$0x1] =	wrdreg $0xFFFFFFFF  }
0xad: {  	[dreg:$0x0] =	wrdreg $0x60  }
0xae: {  	[dreg:$0x2] =	wrdreg s24  }
0xaf: {  	[dreg:$0x3] =	wrdreg s2  }
0xb0: {  	[dreg:$0x4] =	wrdreg $0x2B000  }
0xb1: {  	[dreg:$0x5] =	wrdreg $0x9  }
0xb2: {  	_ =	task.clear_ibuf [dreg:s7], $0x6FFFF;
	_ =	strace $0x90000046  }
0xb3: {  	s29 =	simm.s32 $0x9;
	_ =	strace $0x80000048  }
0xb4: {  	_ =	swait.ge [sflag:s29], $0x1  }
0xb5: {  	[sflag:s29] =	ssyncadd.s32 $0xFFFFFFFF  }
0xb6: {  	_ =	strace $0x90000048  }
0xb7: {  	_ =	sfence  }
0xb8: {  	s30 =	sld [smem:$0x0];
	_ =	sdelay $0x2  }
0xb9: {  	s31 =	sshll.u32 s1, $0xD;
	s1 =	sshrl.u32 s1, $0x2  }
0xba: {  	s3 =	sand.u32 $0x4000, s31;
	s1 =	sadd.s32 s1, s30  }
0xbb: {  	s0 =	sor.u32 s3, s0;
	s1 =	sshll.u32 s1, $0x11  }
0xbc: {  	s0 =	sor.u32 s1, s0  }
0xbd: {  	s0 =	sadd.s32 $0x8F2B, s0  }
0xbe: {  	[sflag:s0] =	ssyncadd.remote.s32 $0x1  }
0xbf: {  	_ =	sfence.sel $0xFFFF  }
0xc0: {  	[dreg:$0x0] =	wrdreg $0xFFFFFFFF;
	(pc) =	sbr.abs _section_cstart, $3  }
0xc1: {  	[dreg:$0x1] =	wrdreg $0xFFFFFFFF  }
0xc2: {  	_ =	task.clear_ibuf [dreg:s7], $0x2FFFF;
	_ =	strace $0x9FFFFFFF  }
0xc3: {  	(tm) =	ssettm $0x7FFFFFFF  }
tec
execute0_lowered:
.L_overlay_start_1:
0x0: {  	(tag) =	ssettag $0x1  }
0x1: {  	s4 =	rddreg [dreg:$0x0]  }
0x2: {  	s0 =	srdreg.scid;
	s6 =	rddreg [dreg:$0x1]  }
0x3: {  	s2 =	rddreg [dreg:$0x2];
	s1 =	stileid.u32;
	s3 =	simm.s32 $0x0  }
0x4: {  	s12 =	simm.s32 $0x1;
	s15 =	simm.s32 $0x20;
	s16 =	simm.s32 $0x10  }
0x5: {  	s5 =	sand.u32 $0x1, s0;
	s0 =	rddreg [dreg:$0x3];
	s9 =	smul.u32 $0x500, s1  }
0x6: {  	s17 =	simm.s32 $0x0;
	[smem:$0x7FF] =	sst s3;
	s11 =	smul.u32 $0xA00, s1  }
0x7: {  	s13 =	sshll.u32 s1, $0x6;
	s7 =	sshll.u32 s5, $0x4;
	_ =	strace $0x80000047  }
0x8: {  	s8 =	ssub.s32 $0x2, s5;
	s5 =	sshll.u32 s5, $0x7;
	s7 =	sor.u32 s1, s7  }
0x9: {  	s13 =	sor.u32 $0x1C02, s13;
	s10 =	sshrl.u32 s8, $0x1;
	s7 =	smul.u32 $0x2800, s7  }
0xa: {  	s5 =	sor.u32 s5, s9;
	s30 =	sshrl.u32 s11, $0x2;
	s9 =	simm.s32 $0x2  }
0xb: {  	s11 =	simm.s32 $0x2800;
	s8 =	ssub.s32 s8, s10;
	s7 =	sshrl.u32 s7, $0x3  }
0xc: {  	s31 =	sshrl.u32 s5, $0x3;
	s10 =	simm.s32 $0x80;
	s7 =	sadd.s32 s4, s7  }
0xd: {  	s6 =	sadd.s32 s6, s31;
	s4 =	sadd.s32 s30, s2;
	s5 =	sadd.s32 $0xC400, s7  }
0xe: {  	v0 =	vimm.f32 $1.000000000e+00;
	v1 =	vimm.f32 $0.0e+00;
	s7 =	smax.u32 s8, $0x1;
	s8 =	simm.s32 $0x2880;
	s14 =	sshrl.u32 s4, $0x3  }
.LBB2_1:
0xf: {  	[tilespmem:$0x2800] =	vst v0  }
0x10: {  	[tilespmem:$0x2810] =	vst v0  }
0x11: {  	[tilespmem:$0x2820] =	vst v0  }
0x12: {  	[tilespmem:$0x2830] =	vst v0  }
0x13: {  	[tilespmem:$0x2840] =	vst v0  }
0x14: {  	[tilespmem:$0x2850] =	vst v0  }
0x15: {  	[tilespmem:$0x2860] =	vst v0  }
0x16: {  	[tilespmem:$0x2870] =	vst v0  }
0x17: {  	[tilespmem:$0x2880] =	vst v1  }
0x18: {  	[tilespmem:$0x2890] =	vst v1  }
0x19: {  	[tilespmem:$0x28A0] =	vst v1  }
0x1a: {  	[tilespmem:$0x28B0] =	vst v1  }
0x1b: {  	[tilespmem:$0x28C0] =	vst v1  }
0x1c: {  	[tilespmem:$0x28D0] =	vst v1  }
0x1d: {  	[tilespmem:$0x28E0] =	vst v1  }
0x1e: {  	[tilespmem:$0x28F0] =	vst v1  }
0x1f: {  	[tilespmem:$0x2900] =	vst v1  }
0x20: {  	[tilespmem:$0x2910] =	vst v1  }
0x21: {  	[tilespmem:$0x2920] =	vst v1  }
0x22: {  	[tilespmem:$0x2930] =	vst v1  }
0x23: {  	[tilespmem:$0x2940] =	vst v1  }
0x24: {  	[tilespmem:$0x2950] =	vst v1  }
0x25: {  	[tilespmem:$0x2960] =	vst v1  }
0x26: {  	[tilespmem:$0x2970] =	vst v1  }
0x27: {  	[tilespmem:$0x2980] =	vst v1  }
0x28: {  	[tilespmem:$0x2990] =	vst v1  }
0x29: {  	[tilespmem:$0x29A0] =	vst v1  }
0x2a: {  	[tilespmem:$0x29B0] =	vst v1  }
0x2b: {  	[tilespmem:$0x29C0] =	vst v1  }
0x2c: {  	[tilespmem:$0x29D0] =	vst v1  }
0x2d: {  	[tilespmem:$0x29E0] =	vst v1  }
0x2e: {  	[tilespmem:$0x29F0] =	vst v1  }
0x2f: {  	[tilespmem:$0x2A00] =	vst v1  }
0x30: {  	[tilespmem:$0x2A10] =	vst v1  }
0x31: {  	[tilespmem:$0x2A20] =	vst v1  }
0x32: {  	[tilespmem:$0x2A30] =	vst v1  }
0x33: {  	[tilespmem:$0x2A40] =	vst v1  }
0x34: {  	[tilespmem:$0x2A50] =	vst v1  }
0x35: {  	[tilespmem:$0x2A60] =	vst v1  }
0x36: {  	[tilespmem:$0x2A70] =	vst v1  }
0x37: {  	[tilespmem:$0x2A80] =	vst v1  }
0x38: {  	[tilespmem:$0x2A90] =	vst v1  }
0x39: {  	[tilespmem:$0x2AA0] =	vst v1  }
0x3a: {  	[tilespmem:$0x2AB0] =	vst v1  }
0x3b: {  	[tilespmem:$0x2AC0] =	vst v1  }
0x3c: {  	[tilespmem:$0x2AD0] =	vst v1  }
0x3d: {  	[tilespmem:$0x2AE0] =	vst v1  }
0x3e: {  	[tilespmem:$0x2AF0] =	vst v1  }
0x3f: {  	[spmem:s4] =	stream.linear.scatter [tilespmem:s8], [sflag:$0x2], $0x280, $0x38;
	[tilespmem:$0x2D80] =	vst v63  }
0x40: {  	_ =	swait.ge [sflag:s9], $0x280  }
0x41: {  	[sflag:s9] =	ssyncset.done $0x0  }
0x42: {  	[sflag:s9] =	ssyncadd.s32 $0xFFFFFD80  }
0x43: {  	[tilespmem:s3], [sflag:$0x2] =	stream.linear.gather [hbm4b:s5+s3], $0x2800, $0x38;
	[tilespmem:$0x2D80] =	vst v63  }
0x44: {  	_ =	swait.ge [sflag:s9], $0x2800  }
0x45: {  	[sflag:s9] =	ssyncset.done $0x0  }
0x46: {  	[sflag:s9] =	ssyncadd.s32 $0xFFFFD800  }
0x47: {  	s18 =	simm.s32 $0x0;
	[bflag:$0x0] =	sbarrier.arrive $0xFFFF  }
.LBB2_2:
0x48: {  	p0 =	sne.s32 s18, $0x9E00  }
.Ltmp0:
0x49: {  	_ = 	snop;
	(pc) =	sbr.rel @p0 .LBB2_2-.Ltmp0, $3  }
0x4a: {  	_ =	sdelay $0x1  }
0x4b: {  	s19 =	sshra.s32 s18, $0x2;
	s18 =	sadd.s32 $0x200, s18  }
0x4c: {  	[spmem:s2] =	stream.indirect.scatter.add.f32 [tilespmem:s11], [sflag:$0x1], $0x1, s19, s10, $0xb8;
	[tilespmem:$0x2D80] =	vst v63  }
0x4d: {  	_ =	swait.ge [sflag:s12], $0x80  }
0x4e: {  	s18 =	simm.s32 $0x4F;
	[sflag:s12] =	ssyncset.done $0x0  }
.LBB2_4:
0x4f: {  	p0 =	sne.s32 s18, $0x1;
	s18 =	sadd.s32 $0xFFFFFFFF, s18;
	[sflag:s12] =	ssyncadd.s32 $0xFFFFFF80  }
.Ltmp1:
0x50: {  	(pc) =	sbr.rel @p0 .LBB2_4-.Ltmp1, $3  }
0x51: {  	_ =	sdelay $0x1  }
0x52: {  	_ =	swait.ge [sflag:s12], $0x80  }
0x53: {  	[sflag:s12] =	ssyncset.done $0x0  }
0x54: {  	s17 =	sadd.s32 $0x1, s17  }
0x55: {  	[sflag:s12] =	ssyncadd.s32 $0xFFFFFF80;
	p0 =	sne.s32 s17, s7  }
.Ltmp2:
0x56: {  	[bflag:$0x0] =	sbarrier.arrive $0xFFFF;
	(pc) =	sbr.rel @p0 .LBB2_1-.Ltmp2, $4  }
0x57: {  	[hbm:s6@s15], [sflag:s13] =	dma.strided [spmem:s14@s16], $0x50, s12, $0x10   }
0x58: {  	_ =	swait.ge [sflag:s9], $0x50  }
0x59: {  	[sflag:s9] =	ssyncset.done $0x0  }
0x5a: {  	[sflag:s9] =	ssyncadd.s32 $0xFFFFFFB0  }
0x5b: {  	_ =	sfence.sel $0x180000  }
0x5c: {  	[bflag:$0x0] =	sbarrier.arrive $0xFFFF  }
0x5d: {  	p0 =	sne.s32 s1, $0x0;
	_ =	strace $0x90000047  }
0x5e: {  	s0 =	sadd.s32 @!p0 $0x100000, s0;
	[bflag:$0x2] =	sbarrier.arrive $0xFFFF  }
0x5f: {  	[sflag:s0] =	ssyncadd.tile.s32 @!p0 $0x1;
	_ =	shalt  }
.Lfunc_end2:
_tile_overlayer_lowered:
.L_overlay_start_2:
0x60: {  	(tag) =	ssettag $0x2  }
0x61: {  	s0 =	rddreg [dreg:$0x0];
	s2 =	stileid.u32  }
0x62: {  	s1 =	rddreg [dreg:$0x1];
	p0 =	sne.s32 s2, $0x0  }
0x63: {  	s3 =	rddreg [dreg:$0x2];
	[bflag:$0x3] =	sbarrier.arrive $0xFFFF;
	s2 =	simm.s32 @!p0 $0x1C02  }
0x64: {  	[timem:s3], [sflag:s2] =	dma.local @!p0 [hbm:s0], s1  }
0x65: {  	s0 =	simm.s32 @!p0 $0x2  }
0x66: {  	_ =	swait.ge @!p0 [sflag:s0], s1  }
0x67: {  	s1 =	ssub.s32 @!p0 $0x0, s1;
	[sflag:s0] =	ssyncset.done @!p0 $0x0  }
0x68: {  	[sflag:s0] =	ssyncadd.s32 @!p0 s1  }
0x69: {  	[bflag:$0x3] =	sbarrier.arrive $0xFFFF  }
0x6a: {  	_ =	shalt  }

// kernel: kernel.9.cloned.1.call-start
scs
__scs_entry_jumppad:
0x0: {  	(pc) =	sbr.rel $0x88, $3  }
0x1: {  	(tag) =	ssettag $0x0;
	lr =	simm.s32 $0x1  }
0x2: {  	[smem:$0x3F9D] =	sst lr;
	_ =	strace $0xD0000000  }
0x3: {  	_ = 	snop  }
0x4: {  	_ = 	snop  }
0x5: {  	_ = 	snop  }
0x6: {  	_ = 	snop  }
0x7: {  	_ = 	snop  }
__scs_overlays_trampoline_lowered:
0x8: {  	[smem:$0x3FAC] =	sst s0  }
0x9: {  	[smem:$0x3FAD] =	sst s1  }
0xa: {  	[smem:$0x3FAE] =	sst s2  }
0xb: {  	[smem:$0x3FAF] =	sst s3  }
0xc: {  	[smem:$0x3FB0] =	sst s4  }
0xd: {  	[smem:$0x3FB1] =	sst s5  }
0xe: {  	[smem:$0x3FB2] =	sst s6  }
0xf: {  	[smem:$0x3FB3] =	sst s7  }
0x10: {  	[smem:$0x3FB4] =	sst s8  }
0x11: {  	[smem:$0x3FB5] =	sst s9;
	s0 =	simm.s32 @!p0 $0x0  }
0x12: {  	s1 =	sld [smem:$0x3F9B];
	s0 =	simm.s32 @p0 $0x1  }
0x13: {  	[smem:$0x3FB6] =	sst s0;
	s0 =	simm.s32 @!p1 $0x0  }
0x14: {  	s2 =	sld [smem:$0x3F9A];
	s0 =	simm.s32 @p1 $0x1  }
0x15: {  	[smem:$0x3FB7] =	sst s0;
	s0 =	simm.s32 @!p2 $0x0  }
0x16: {  	s3 =	sld [smem:$0x3FDB];
	s0 =	simm.s32 @p2 $0x1  }
0x17: {  	s4 =	simm.s32 $0x1BF5;
	[smem:$0x3FB9] =	sst s0  }
0x18: {  	s0 =	sld [smem:$0x3F9C];
	_ =	swait.ge [sflag:s4], $0x0  }
0x19: {  	s7 =	sld [smem:$0x3F9D]  }
0x1a: {  	s8 =	sadd.s32 $0xFFFFE003, lr  }
0x1b: {  	s9 =	sadd.s32 $0xFFFFFEF7, lr;
	s5 =	simm.s32 $0xFFFFFFFF;
	p2 =	slt.u32 s8, $0xFFFFF086  }
0x1c: {  	p1 =	slt.u32 s9, $0xF7A;
	s5 =	simm.s32 @!p2 $0x0  }
0x1d: {  	s5 =	simm.s32 @p1 $0x1;
	p0 =	seq.s32 s7, s2  }
0x1e: {  	s7 =	smul.u32 @!p0 $0xF7A, s2;
	p2 =	seq.s32 @!p0 s5, $0x0  }
0x1f: {  	s9 =	smul.u32 $0xF7A, s1;
	s8 =	simm.s32 @!p0 $0x1BF5;
	p2 =	por !p2, p0  }
0x20: {  	[sflag:s8] =	ssyncset.s32 @!p0 $0xFFFFF086;
	s6 =	sadd.s32 @!p0 s3, s7;
	s7 =	simm.s32 @!p0 $0x108  }
0x21: {  	s3 =	sadd.s32 s3, s9;
	s6 =	sadd.s32 @!p0 $0x88, s6;
	s7 =	simm.s32 @p2 $0x1082  }
0x22: {  	[simem:s7], [sflag:s8] =	dma.local @!p0 [hbm:s6], $0xF7A  }
0x23: {  	s9 =	sor.u32 $0xD0000000, s2;
	s6 =	simm.s32 $0x108;
	_ =	swait.ge @!p0 [sflag:s8], $0x0  }
0x24: {  	s3 =	sadd.s32 $0x88, s3;
	s6 =	simm.s32 @!p1 $0x1082;
	[sflag:s4] =	ssyncset.s32 $0xFFFFF086  }
0x25: {  	[simem:s6], [sflag:s4] =	dma.local [hbm:s3], $0xF7A  }
0x26: {  	[smem:$0x3F9D] =	sst s1;
	(tag) =	ssettag s2;
	_ =	strace s9  }
0x27: {  	s1 =	sld [smem:$0x3FAD]  }
0x28: {  	s2 =	sld [smem:$0x3FAE]  }
0x29: {  	s4 =	sld [smem:$0x3FB0]  }
0x2a: {  	p0 =	seq.s32 s5, $0x0;
	s5 =	sld [smem:$0x3FB1]  }
0x2b: {  	s6 =	sld [smem:$0x3FB2]  }
0x2c: {  	s7 =	sld [smem:$0x3FB3]  }
0x2d: {  	s3 =	simm.s32 $0x108;
	s8 =	sld [smem:$0x3FB4]  }
0x2e: {  	s3 =	simm.s32 @!p0 $0x1082;
	s9 =	sld [smem:$0x3FB5]  }
0x2f: {  	lr =	sadd.s32 s0, s3;
	s0 =	sld [smem:$0x3FAC]  }
0x30: {  	s3 =	sld [smem:$0x3FAF]  }
0x31: {  	[smem:$0x3FB8] =	sst s10  }
0x32: {  	s10 =	sld [smem:$0x3FB6];
	_ =	sdelay $0x3  }
0x33: {  	p0 =	seq.s32 s10, $0x1;
	s10 =	sld [smem:$0x3FB8];
	_ =	sdelay $0x3  }
0x34: {  	[smem:$0x3FB8] =	sst s10  }
0x35: {  	s10 =	sld [smem:$0x3FB7];
	_ =	sdelay $0x3  }
0x36: {  	p1 =	seq.s32 s10, $0x1;
	s10 =	sld [smem:$0x3FB8];
	_ =	sdelay $0x3  }
0x37: {  	[smem:$0x3FB8] =	sst s10  }
0x38: {  	s10 =	sld [smem:$0x3FB9]  }
0x39: {  	_ = 	snop;
	(pc) =	sbr.ind lr, $3  }
0x3a: {  	_ = 	snop  }
0x3b: {  	_ = 	snop  }
0x3c: {  	p2 =	seq.s32 s10, $0x1;
	s10 =	sld [smem:$0x3FB8]  }
0x3d: {  	_ =	shalt  }
0x3e: {  	_ =	shalt  }
0x3f: {  	_ =	shalt  }
0x40: {  	_ =	shalt  }
0x41: {  	_ =	shalt  }
0x42: {  	_ =	shalt  }
0x43: {  	_ =	shalt  }
0x44: {  	_ =	shalt  }
0x45: {  	_ =	shalt  }
0x46: {  	_ =	shalt  }
0x47: {  	_ =	shalt  }
0x48: {  	_ =	shalt  }
0x49: {  	_ =	shalt  }
0x4a: {  	_ =	shalt  }
0x4b: {  	_ =	shalt  }
0x4c: {  	_ =	shalt  }
0x4d: {  	_ =	shalt  }
0x4e: {  	_ =	shalt  }
0x4f: {  	_ =	shalt  }
0x50: {  	_ =	shalt  }
0x51: {  	_ =	shalt  }
0x52: {  	_ =	shalt  }
0x53: {  	_ =	shalt  }
0x54: {  	_ =	shalt  }
0x55: {  	_ =	shalt  }
0x56: {  	_ =	shalt  }
0x57: {  	_ =	shalt  }
0x58: {  	_ =	shalt  }
0x59: {  	_ =	shalt  }
0x5a: {  	_ =	shalt  }
0x5b: {  	_ =	shalt  }
0x5c: {  	_ =	shalt  }
0x5d: {  	_ =	shalt  }
0x5e: {  	_ =	shalt  }
0x5f: {  	_ =	shalt  }
0x60: {  	_ =	shalt  }
0x61: {  	_ =	shalt  }
0x62: {  	_ =	shalt  }
0x63: {  	_ =	shalt  }
0x64: {  	_ =	shalt  }
0x65: {  	_ =	shalt  }
0x66: {  	_ =	shalt  }
0x67: {  	_ =	shalt  }
0x68: {  	_ =	shalt  }
0x69: {  	_ =	shalt  }
0x6a: {  	_ =	shalt  }
0x6b: {  	_ =	shalt  }
0x6c: {  	_ =	shalt  }
0x6d: {  	_ =	shalt  }
0x6e: {  	_ =	shalt  }
0x6f: {  	_ =	shalt  }
0x70: {  	_ =	shalt  }
0x71: {  	_ =	shalt  }
0x72: {  	_ =	shalt  }
0x73: {  	_ =	shalt  }
0x74: {  	_ =	shalt  }
0x75: {  	_ =	shalt  }
0x76: {  	_ =	shalt  }
0x77: {  	_ =	shalt  }
0x78: {  	_ =	shalt  }
0x79: {  	_ =	shalt  }
0x7a: {  	_ =	shalt  }
0x7b: {  	_ =	shalt  }
0x7c: {  	_ =	shalt  }
0x7d: {  	_ =	shalt  }
0x7e: {  	_ =	shalt  }
0x7f: {  	_ =	shalt  }
0x80: {  	_ =	shalt  }
0x81: {  	_ =	shalt  }
0x82: {  	_ =	shalt  }
0x83: {  	_ =	shalt  }
0x84: {  	_ =	shalt  }
0x85: {  	_ =	shalt  }
0x86: {  	_ =	shalt  }
0x87: {  	_ =	shalt  }
.Lfunc_end0:
.L_simem_size_0:
called_computation.1_lowered:
.L_overlay_start_0:
0x88: {  	s2 =	sld [smem:$0x3FD9]  }
0x89: {  	s3 =	sld [smem:$0x3FFE];
	_ =	sdelay $0x1  }
0x8a: {  	s1 =	srdreg.scid  }
0x8b: {  	s0 =	sand.u32 $0x1, s1  }
0x8c: {  	s17 =	sshll.u32 s0, $0xA;
	s2 =	sadd.s32 s3, s2  }
0x8d: {  	s2 =	sadd.s32 s2, s17  }
0x8e: {  	[smem:$0x3FC4] =	sst s2  }
0x8f: {  	_ = 	snop  }
0x90: {  	s2 =	sld [smem:$0x3FD0];
	(tm) =	ssettm $0x1  }
0x91: {  	s18 =	sld [smem:$0x3FFB];
	_ =	sdelay $0x3  }
0x92: {  	_ =	strace s18  }
0x93: {  	s3 =	sld [smem:$0x3FFC];
	_ =	sdelay $0x3  }
0x94: {  	_ =	strace s3  }
0x95: {  	s3 =	sld [smem:$0x3FFD];
	_ =	sdelay $0x3  }
0x96: {  	_ =	strace s3  }
0x97: {  	_ =	strace $0x8FFFFFFF  }
0x98: {  	s19 =	sld [smem:$0x3FDB];
	_ =	sdelay $0x1  }
0x99: {  	s4 =	simm.s32 $_scs_section_size  }
0x9a: {  	s5 =	simm.s32 $_size__tile_overlayer_lowered;
	s6 =	simm.s32 $_tile_overlayer_lowered  }
0x9b: {  	s22 =	simm.s32 $0x1BFF;
	s21 =	sshll.u32 s6, $0x1;
	s3 =	sadd.s32 s4, s19  }
0x9c: {  	s7 =	simm.s32 $0x0;
	s20 =	sshll.u32 s5, $0x1;
	s5 =	sadd.s32 s21, s3  }
0x9d: {  	[timem:s7], [sflag:s22] =	dma.local [hbm:s5], s20  }
0x9e: {  	_ =	swait.ge [sflag:s22], s20  }
0x9f: {  	s4 =	ssub.s32 $0x0, s20;
	[sflag:s22] =	ssyncset.done $0x0  }
0xa0: {  	[sflag:s22] =	ssyncadd.s32 s4;
	_ =	sdelay $0x1  }
0xa1: {  	s23 =	simm.s32 $0x1B8B  }
0xa2: {  	_ =	swait.ge [sflag:s23], $0x1  }
0xa3: {  	[sflag:s23] =	ssyncset.done $0x0  }
0xa4: {  	s25 =	simm.s32 $0x1B8E;
	s24 =	sld [smem:$0x3FFE];
	[sflag:s23] =	ssyncadd.s32 $0xFFFFFFFF  }
0xa5: {  	s26 =	simm.s32 $execute0_lowered;
	[smem:$0x3FD2] =	sst s25  }
0xa6: {  	s5 =	sshll.u32 s26, $0x1;
	_ =	strace $0x80000049;
	[dreg:$0x1] =	wrdreg $0xFFFFFFFF  }
0xa7: {  	s28 =	simm.s32 $_size_execute0_lowered;
	s3 =	sadd.s32 s3, s5;
	[dreg:$0x0] =	wrdreg $0x0  }
0xa8: {  	s5 =	sshll.u32 s28, $0x1;
	[dreg:$0x2] =	wrdreg s3  }
0xa9: {  	[dreg:$0x3] =	wrdreg s5  }
0xaa: {  	[dreg:$0x4] =	wrdreg $0xC0  }
0xab: {  	_ =	task [dreg:s7], $0x5FFFF  }
0xac: {  	[dreg:$0x1] =	wrdreg $0xFFFFFFFF  }
0xad: {  	[dreg:$0x0] =	wrdreg $0x60  }
0xae: {  	[dreg:$0x2] =	wrdreg s2  }
0xaf: {  	[dreg:$0x3] =	wrdreg s24  }
0xb0: {  	[dreg:$0x4] =	wrdreg $0xA9000  }
0xb1: {  	[dreg:$0x5] =	wrdreg $0x9  }
0xb2: {  	_ =	task.clear_ibuf [dreg:s7], $0x6FFFF;
	_ =	strace $0x90000049  }
0xb3: {  	s29 =	simm.s32 $0x9;
	_ =	strace $0x8000004B  }
0xb4: {  	_ =	swait.ge [sflag:s29], $0x1  }
0xb5: {  	[sflag:s29] =	ssyncadd.s32 $0xFFFFFFFF  }
0xb6: {  	_ =	strace $0x9000004B  }
0xb7: {  	_ =	sfence  }
0xb8: {  	s30 =	sld [smem:$0x0];
	_ =	sdelay $0x2  }
0xb9: {  	s31 =	sshll.u32 s1, $0xD;
	s1 =	sshrl.u32 s1, $0x2  }
0xba: {  	s3 =	sand.u32 $0x4000, s31;
	s1 =	sadd.s32 s1, s30  }
0xbb: {  	s0 =	sor.u32 s3, s0;
	s1 =	sshll.u32 s1, $0x11  }
0xbc: {  	s0 =	sor.u32 s1, s0  }
0xbd: {  	s0 =	sadd.s32 $0x8F2B, s0  }
0xbe: {  	[sflag:s0] =	ssyncadd.remote.s32 $0x1  }
0xbf: {  	_ =	sfence.sel $0xFFFF  }
0xc0: {  	[dreg:$0x0] =	wrdreg $0xFFFFFFFF;
	(pc) =	sbr.abs _section_cstart, $3  }
0xc1: {  	[dreg:$0x1] =	wrdreg $0xFFFFFFFF  }
0xc2: {  	_ =	task.clear_ibuf [dreg:s7], $0x2FFFF;
	_ =	strace $0x9FFFFFFF  }
0xc3: {  	(tm) =	ssettm $0x7FFFFFFF  }
tec
execute0_lowered:
.L_overlay_start_1:
0x0: {  	(tag) =	ssettag $0x1  }
0x1: {  	s1 =	rddreg [dreg:$0x0]  }
0x2: {  	s0 =	rddreg [dreg:$0x1]  }
0x3: {  	s2 =	rddreg [dreg:$0x2];
	s3 =	simm.s32 $0x0;
	s4 =	srdreg.scid  }
0x4: {  	s13 =	stileid.u32;
	s15 =	simm.s32 $0x80;
	s16 =	simm.s32 $0x2900  }
0x5: {  	s17 =	simm.s32 $0x2800;
	s18 =	simm.s32 $0x6900;
	s19 =	simm.s32 $0x2880  }
0x6: {  	s20 =	simm.s32 $0x1;
	s21 =	simm.s32 $0x3;
	s22 =	simm.s32 $0x2  }
0x7: {  	s23 =	simm.s32 $0x4;
	[smem:$0x7FF] =	sst s3;
	s7 =	smul.u32 $0x14000, s13  }
0x8: {  	s4 =	sand.u32 $0x1, s4;
	s5 =	sadd.s32 $0x2400, s0;
	s24 =	smul.u32 $0x50000, s13  }
0x9: {  	s9 =	sadd.s32 $0x16400, s0;
	s12 =	smul.u32 $0x50, s13;
	s29 =	sshll.u32 s13, $0x6  }
0xa: {  	_ =	strace $0x8000004A;
	s6 =	smul.u32 $0x140000, s4;
	s8 =	sshll.u32 s4, $0x4  }
0xb: {  	[dreg:$0x5] =	wrdreg s9;
	s25 =	ssub.s32 $0x2, s4;
	s11 =	smul.u32 $0x500, s4  }
0xc: {  	s4 =	smul.u32 $0x28000, s4;
	s8 =	sor.u32 s13, s8;
	s10 =	sshrl.u32 s25, $0x1  }
0xd: {  	s9 =	sshrl.u32 s24, $0x2;
	s13 =	smul.u32 $0x2800, s13;
	s24 =	simm.s32 $0x0  }
0xe: {  	s6 =	sadd.s32 s7, s6;
	s8 =	smul.u32 $0x2800, s8;
	s26 =	ssub.s32 s25, s10  }
0xf: {  	s14 =	sadd.s32 s9, s2;
	s31 =	sadd.s32 s12, s11;
	s6 =	sshrl.u32 s6, $0x3  }
0x10: {  	s4 =	sadd.s32 s13, s4;
	s12 =	sor.u32 $0x2, s31;
	s0 =	sadd.s32 s6, s0  }
0x11: {  	s28 =	sshrl.u32 s8, $0x3;
	s6 =	smax.u32 s26, $0x1;
	[dreg:$0x4] =	wrdreg s4  }
0x12: {  	s7 =	sadd.s32 s5, s28;
	s0 =	sadd.s32 $0x18C00, s0;
	[dreg:$0x8] =	wrdreg s6  }
0x13: {  	s13 =	sshrl.u32 s14, $0x3;
	s30 =	sadd.s32 $0xA000, s7;
	[dreg:$0x7] =	wrdreg s0  }
0x14: {  	s14 =	simm.s32 $0x5;
	s8 =	sor.u32 $0x1C05, s29;
	[dreg:$0x6] =	wrdreg s30  }
.LBB2_1:
0x15: {  	s0 =	rddreg [dreg:$0x5]  }
0x16: {  	[spmem:s13], [sflag:s8] =	dma.local [hbm:s0], $0x2800  }
0x17: {  	_ =	swait.ge [sflag:s14], $0x2800  }
0x18: {  	[sflag:s14] =	ssyncset.done $0x0  }
0x19: {  	[sflag:s14] =	ssyncadd.s32 $0xFFFFD800  }
0x1a: {  	[tilespmem:s3], [sflag:$0x5] =	stream.linear.gather [hbm4b:s7+s3], $0x2800, $0x38;
	[tilespmem:$0x1E900] =	vst v63  }
0x1b: {  	_ =	swait.ge [sflag:s14], $0x2800  }
0x1c: {  	[sflag:s14] =	ssyncset.done $0x0  }
0x1d: {  	[sflag:s14] =	ssyncadd.s32 $0xFFFFD800  }
0x1e: {  	[bflag:$0x0] =	sbarrier.arrive $0xFFFF  }
0x1f: {  	[tilespmem:s16], [sflag:$0x1] =	stream.indirect.gather [hbm4b:s1+s15], $0x80, s3, s15, $0xb8;
	[tilespmem:$0x1E900] =	vst v63  }
0x20: {  	s11 =	rddreg [dreg:$0x4]  }
0x21: {  	s10 =	rddreg [dreg:$0x6];
	s0 =	sadd.s32 $0x100, s11  }
0x22: {  	[tilespmem:s17], [sflag:$0x3] =	stream.linear.gather [hbm4b:s10+s3], $0x80, $0x38;
	[tilespmem:$0x1E900] =	vst v63  }
0x23: {  	s4 =	simm.s32 $0x80;
	s6 =	simm.s32 $0x80;
	s25 =	sadd.s32 $0xFFFFFF00, s0  }
0x24: {  	[tilespmem:s18], [sflag:$0x2] =	stream.indirect.gather [hbm4b:s1+s15], $0x80, s4, s15, $0xb8;
	[tilespmem:$0x1E900] =	vst v63  }
0x25: {  	s6 =	sand.u32 $0x380, s6;
	s4 =	sand.u32 $0xFFFFFC00, s25  }
0x26: {  	s4 =	sor.u32 s6, s4  }
0x27: {  	s4 =	sadd.s32 $0x50000, s4  }
0x28: {  	s4 =	sshrl.u32 s4, $0x3  }
0x29: {  	s4 =	sadd.s32 s5, s4  }
0x2a: {  	[tilespmem:s19], [sflag:$0x4] =	stream.linear.gather [hbm4b:s4+s3], $0x80, $0x38;
	[tilespmem:$0x1E900] =	vst v63  }
0x2b: {  	_ =	swait.ge [sflag:s20], $0x4000  }
0x2c: {  	[sflag:s20] =	ssyncset.done $0x0  }
0x2d: {  	[sflag:s20] =	ssyncadd.s32 $0xFFFFC000  }
0x2e: {  	_ =	swait.ge [sflag:s21], $0x80  }
0x2f: {  	[sflag:s21] =	ssyncset.done $0x0  }
0x30: {  	s26 =	simm.s32 $0x100;
	s0 =	sand.u32 $0xFFFFFC00, s0;
	[sflag:s21] =	ssyncadd.s32 $0xFFFFFF80  }
0x31: {  	[spmem:s2] =	stream.indirect.scatter.add.f32 [tilespmem:s16], [sflag:$0x5], $0x80, s17, s15, $0xb8;
	[tilespmem:$0x1E900] =	vst v63  }
0x32: {  	s30 =	sand.u32 $0x300, s26;
	s0 =	sadd.s32 $0x50000, s0;
	_ =	swait.ge [sflag:s14], $0x4000  }
0x33: {  	s0 =	sor.u32 s30, s0;
	[sflag:s14] =	ssyncset.done $0x0  }
0x34: {  	s0 =	sshrl.u32 s0, $0x3;
	[sflag:s14] =	ssyncadd.s32 $0xFFFFC000  }
0x35: {  	[tilespmem:s16], [sflag:$0x1] =	stream.indirect.gather [hbm4b:s1+s15], $0x80, s26, s15, $0xb8;
	[tilespmem:$0x1E900] =	vst v63  }
0x36: {  	s0 =	sadd.s32 s5, s0  }
0x37: {  	[tilespmem:s17], [sflag:$0x3] =	stream.linear.gather [hbm4b:s0+s3], $0x80, $0x38;
	[tilespmem:$0x1E900] =	vst v63  }
0x38: {  	_ =	swait.ge [sflag:s22], $0x4000  }
0x39: {  	[sflag:s22] =	ssyncset.done $0x0  }
0x3a: {  	[sflag:s22] =	ssyncadd.s32 $0xFFFFC000  }
0x3b: {  	_ =	swait.ge [sflag:s23], $0x80  }
0x3c: {  	s31 =	simm.s32 $0x200;
	s28 =	simm.s32 $0xFFFFFFFE;
	[sflag:s23] =	ssyncset.done $0x0  }
0x3d: {  	s29 =	simm.s32 $0x300;
	s25 =	simm.s32 $0x300;
	[sflag:s23] =	ssyncadd.s32 $0xFFFFFF80  }
0x3e: {  	[spmem:s2] =	stream.indirect.scatter.add.f32 [tilespmem:s18], [sflag:$0x5], $0x80, s19, s15, $0xb8;
	[tilespmem:$0x1E900] =	vst v63  }
0x3f: {  	s4 =	simm.s32 $0x180;
	s26 =	simm.s32 $0x40;
	_ =	swait.ge [sflag:s14], $0x4000  }
0x40: {  	s0 =	simm.s32 $0x200;
	s6 =	rddreg [dreg:$0x4];
	[sflag:s14] =	ssyncset.done $0x0  }
.LBB2_2:
0x41: {  	[sflag:s14] =	ssyncadd.s32 $0xFFFFC000  }
0x42: {  	[tilespmem:s18], [sflag:$0x2] =	stream.indirect.gather [hbm4b:s1+s15], $0x80, s4, s15, $0xb8;
	[tilespmem:$0x1E900] =	vst v63  }
0x43: {  	s4 =	sadd.s32 s31, s6  }
0x44: {  	s6 =	sand.u32 $0x300, s31;
	s31 =	sadd.s32 $0xFFFFFF80, s31;
	s11 =	sadd.s32 $0xFFFFFF00, s4  }
0x45: {  	s31 =	sand.u32 $0x380, s31;
	s11 =	sand.u32 $0xFFFFFC00, s11  }
0x46: {  	s4 =	sand.u32 $0xFFFFFC00, s4;
	s11 =	sor.u32 s31, s11  }
0x47: {  	s9 =	sadd.s32 $0xFFFFFF80, s25;
	s4 =	sadd.s32 $0x50000, s4;
	s11 =	sadd.s32 $0x50000, s11  }
0x48: {  	s6 =	sor.u32 s6, s4;
	s4 =	smov.u32 s9;
	s9 =	sshrl.u32 s11, $0x3  }
0x49: {  	s9 =	sadd.s32 s5, s9  }
0x4a: {  	[tilespmem:s19], [sflag:$0x4] =	stream.linear.gather [hbm4b:s9+s3], $0x80, $0x38;
	[tilespmem:$0x1E900] =	vst v63  }
0x4b: {  	_ =	swait.ge [sflag:s20], $0x4000  }
0x4c: {  	[sflag:s20] =	ssyncset.done $0x0  }
0x4d: {  	[sflag:s20] =	ssyncadd.s32 $0xFFFFC000  }
0x4e: {  	_ =	swait.ge [sflag:s21], $0x80  }
0x4f: {  	[sflag:s21] =	ssyncset.done $0x0  }
0x50: {  	[sflag:s21] =	ssyncadd.s32 $0xFFFFFF80  }
0x51: {  	[spmem:s2] =	stream.indirect.scatter.add.f32 [tilespmem:s16], [sflag:$0x5], $0x80, s17, s15, $0xb8;
	[tilespmem:$0x1E900] =	vst v63  }
0x52: {  	_ =	swait.ge [sflag:s14], $0x4000  }
0x53: {  	[sflag:s14] =	ssyncset.done $0x0  }
0x54: {  	s6 =	sshrl.u32 s6, $0x3;
	[sflag:s14] =	ssyncadd.s32 $0xFFFFC000  }
0x55: {  	[tilespmem:s16], [sflag:$0x1] =	stream.indirect.gather [hbm4b:s1+s15], $0x80, s0, s15, $0xb8;
	[tilespmem:$0x1E900] =	vst v63  }
0x56: {  	s6 =	sadd.s32 s5, s6  }
0x57: {  	[tilespmem:s17], [sflag:$0x3] =	stream.linear.gather [hbm4b:s6+s3], $0x80, $0x38;
	[tilespmem:$0x1E900] =	vst v63  }
0x58: {  	_ =	swait.ge [sflag:s22], $0x4000  }
0x59: {  	[sflag:s22] =	ssyncset.done $0x0  }
0x5a: {  	s10 =	smov.u32 s29;
	s29 =	sadd.s32 $0x100, s29;
	[sflag:s22] =	ssyncadd.s32 $0xFFFFC000  }
0x5b: {  	p0 =	sne.s32 s29, $0x2800;
	_ =	swait.ge [sflag:s23], $0x80  }
.Ltmp0:
0x5c: {  	s30 =	smov.u32 s25;
	[sflag:s23] =	ssyncset.done $0x0;
	(pc) =	sbr.rel @p0 .LBB2_2-.Ltmp0, $4  }
0x5d: {  	s28 =	sadd.s32 $0xFFFFFFFE, s28;
	s26 =	sadd.s32 $0x20, s26;
	[sflag:s23] =	ssyncadd.s32 $0xFFFFFF80  }
0x5e: {  	[spmem:s2] =	stream.indirect.scatter.add.f32 [tilespmem:s18], [sflag:$0x5], $0x80, s19, s15, $0xb8;
	[tilespmem:$0x1E900] =	vst v63  }
0x5f: {  	s31 =	smov.u32 s10;
	s0 =	smov.u32 s25;
	_ =	swait.ge [sflag:s14], $0x4000  }
0x60: {  	s25 =	sadd.s32 $0x100, s25;
	s6 =	rddreg [dreg:$0x4];
	[sflag:s14] =	ssyncset.done $0x0  }
0x61: {  	[sflag:s14] =	ssyncadd.s32 $0xFFFFC000;
	s11 =	sadd.s32 s31, s6  }
0x62: {  	[tilespmem:s18], [sflag:$0x2] =	stream.indirect.gather [hbm4b:s1+s15], $0x80, s4, s15, $0xb8;
	[tilespmem:$0x1E900] =	vst v63  }
0x63: {  	s9 =	sadd.s32 $0xFFFFFF80, s31;
	s6 =	sadd.s32 $0xFFFFFF00, s11  }
0x64: {  	s9 =	sand.u32 $0x380, s9;
	s6 =	sand.u32 $0xFFFFFC00, s6  }
0x65: {  	s6 =	sor.u32 s9, s6  }
0x66: {  	s6 =	sadd.s32 $0x50000, s6  }
0x67: {  	s6 =	sshrl.u32 s6, $0x3  }
0x68: {  	s6 =	sadd.s32 s5, s6  }
0x69: {  	[tilespmem:s19], [sflag:$0x4] =	stream.linear.gather [hbm4b:s6+s3], $0x80, $0x38;
	[tilespmem:$0x1E900] =	vst v63  }
0x6a: {  	_ =	swait.ge [sflag:s20], $0x4000  }
0x6b: {  	[sflag:s20] =	ssyncset.done $0x0  }
0x6c: {  	[sflag:s20] =	ssyncadd.s32 $0xFFFFC000  }
0x6d: {  	_ =	swait.ge [sflag:s21], $0x80  }
0x6e: {  	[sflag:s21] =	ssyncset.done $0x0  }
0x6f: {  	[sflag:s21] =	ssyncadd.s32 $0xFFFFFF80  }
0x70: {  	[spmem:s2] =	stream.indirect.scatter.add.f32 [tilespmem:s16], [sflag:$0x5], $0x80, s17, s15, $0xb8;
	[tilespmem:$0x1E900] =	vst v63  }
0x71: {  	_ =	swait.ge [sflag:s14], $0x4000  }
0x72: {  	[sflag:s14] =	ssyncset.done $0x0  }
0x73: {  	s6 =	sand.u32 $0xFFFFFC00, s11;
	[sflag:s14] =	ssyncadd.s32 $0xFFFFC000  }
0x74: {  	[tilespmem:s16], [sflag:$0x1] =	stream.indirect.gather [hbm4b:s1+s15], $0x80, s0, s15, $0xb8;
	[tilespmem:$0x1E900] =	vst v63  }
0x75: {  	s9 =	sand.u32 $0x300, s31;
	s0 =	sadd.s32 $0x50000, s6  }
0x76: {  	s4 =	sor.u32 s9, s0  }
0x77: {  	s4 =	sshrl.u32 s4, $0x3  }
0x78: {  	s4 =	sadd.s32 s5, s4  }
0x79: {  	[tilespmem:s17], [sflag:$0x3] =	stream.linear.gather [hbm4b:s4+s3], $0x80, $0x38;
	[tilespmem:$0x1E900] =	vst v63  }
0x7a: {  	_ =	swait.ge [sflag:s22], $0x4000  }
0x7b: {  	[sflag:s22] =	ssyncset.done $0x0  }
0x7c: {  	[sflag:s22] =	ssyncadd.s32 $0xFFFFC000  }
0x7d: {  	_ =	swait.ge [sflag:s23], $0x80  }
0x7e: {  	[sflag:s23] =	ssyncset.done $0x0  }
0x7f: {  	s11 =	sadd.s32 $0xFFFFFF80, s29;
	[sflag:s23] =	ssyncadd.s32 $0xFFFFFF80  }
0x80: {  	[spmem:s2] =	stream.indirect.scatter.add.f32 [tilespmem:s18], [sflag:$0x5], $0x80, s19, s15, $0xb8;
	[tilespmem:$0x1E900] =	vst v63  }
0x81: {  	s4 =	sand.u32 $0x380, s11;
	_ =	swait.ge [sflag:s14], $0x4000  }
0x82: {  	s0 =	sor.u32 s4, s0;
	[sflag:s14] =	ssyncset.done $0x0  }
0x83: {  	s10 =	sadd.s32 $0x80, s30;
	s0 =	sshrl.u32 s0, $0x3;
	[sflag:s14] =	ssyncadd.s32 $0xFFFFC000  }
0x84: {  	[tilespmem:s18], [sflag:$0x2] =	stream.indirect.gather [hbm4b:s1+s15], $0x80, s10, s15, $0xb8;
	[tilespmem:$0x1E900] =	vst v63  }
0x85: {  	s0 =	sadd.s32 s5, s0  }
0x86: {  	[tilespmem:s19], [sflag:$0x4] =	stream.linear.gather [hbm4b:s0+s3], $0x80, $0x38;
	[tilespmem:$0x1E900] =	vst v63  }
0x87: {  	_ =	swait.ge [sflag:s20], $0x4000  }
0x88: {  	[sflag:s20] =	ssyncset.done $0x0  }
0x89: {  	[sflag:s20] =	ssyncadd.s32 $0xFFFFC000  }
0x8a: {  	_ =	swait.ge [sflag:s21], $0x80  }
0x8b: {  	s0 =	sadd.s32 $0xFFFFFFFE, s28;
	[sflag:s21] =	ssyncset.done $0x0  }
0x8c: {  	s29 =	ssub.s32 $0xFFFFFFFE, s0;
	[sflag:s21] =	ssyncadd.s32 $0xFFFFFF80  }
0x8d: {  	[spmem:s2] =	stream.indirect.scatter.add.f32 [tilespmem:s16], [sflag:$0x5], $0x80, s17, s15, $0xb8;
	[tilespmem:$0x1E900] =	vst v63  }
0x8e: {  	p0 =	sgt.u32 s29, $0x4B;
	_ =	swait.ge [sflag:s14], $0x4000  }
0x8f: {  	s4 =	simm.s32 @!p0 $0x80;
	[sflag:s14] =	ssyncset.done $0x0  }
0x90: {  	s6 =	simm.s32 @!p0 $0x2900;
	s0 =	ssub.s32 @!p0 s12, s0;
	[sflag:s14] =	ssyncadd.s32 $0xFFFFC000  }
0x91: {  	[tilespmem:s6], [sflag:$0x1] =	stream.indirect.gather @!p0 [hbm4b:s1+s4], $0x80, s25, s4, $0xb8;
	[tilespmem:$0x1E900] =	vst v63  }
0x92: {  	s0 =	sshll.u32 @!p0 s0, $0x4;
	s4 =	sadd.s32 $0x20, s26  }
0x93: {  	s0 =	sand.u32 @!p0 $0xFFFFF80, s0;
	s4 =	sand.u32 @!p0 $0x60, s4  }
0x94: {  	s0 =	sor.u32 @!p0 s4, s0  }
0x95: {  	s0 =	sadd.s32 @!p0 s5, s0  }
0x96: {  	s6 =	simm.s32 @!p0 $0x2800;
	s4 =	simm.s32 @!p0 $0x0;
	s0 =	sadd.s32 @!p0 $0xA000, s0  }
0x97: {  	[tilespmem:s6], [sflag:$0x3] =	stream.linear.gather @!p0 [hbm4b:s0+s4], $0x80, $0x38;
	[tilespmem:$0x1E900] =	vst v63  }
0x98: {  	_ =	swait.ge [sflag:s22], $0x4000  }
0x99: {  	[sflag:s22] =	ssyncset.done $0x0  }
0x9a: {  	[sflag:s22] =	ssyncadd.s32 $0xFFFFC000  }
0x9b: {  	_ =	swait.ge [sflag:s23], $0x80  }
0x9c: {  	[sflag:s23] =	ssyncset.done $0x0  }
0x9d: {  	[sflag:s23] =	ssyncadd.s32 $0xFFFFFF80  }
0x9e: {  	[spmem:s2] =	stream.indirect.scatter.add.f32 [tilespmem:s18], [sflag:$0x5], $0x80, s19, s15, $0xb8;
	[tilespmem:$0x1E900] =	vst v63  }
0x9f: {  	_ =	swait.ge [sflag:s14], $0x4000  }
0xa0: {  	[sflag:s14] =	ssyncset.done $0x0  }
0xa1: {  	[sflag:s14] =	ssyncadd.s32 $0xFFFFC000  }
0xa2: {  	[bflag:$0x0] =	sbarrier.arrive $0xFFFF  }
0xa3: {  	s30 =	rddreg [dreg:$0x7]  }
0xa4: {  	[hbm:s30], [sflag:s8] =	dma.local [spmem:s13], $0x2800  }
0xa5: {  	_ =	swait.ge [sflag:s14], $0x2800  }
0xa6: {  	s24 =	sadd.s32 $0x1, s24;
	s31 =	rddreg [dreg:$0x8]  }
0xa7: {  	p0 =	sne.s32 s24, s31  }
.Ltmp1:
0xa8: {  	_ = 	snop;
	(pc) =	sbr.rel @p0 .LBB2_1-.Ltmp1, $3  }
0xa9: {  	_ =	sdelay $0x1  }
0xaa: {  	[sflag:s14] =	ssyncset.done $0x0  }
0xab: {  	[sflag:s14] =	ssyncadd.s32 $0xFFFFD800  }
0xac: {  	_ =	sfence.sel $0x180000  }
0xad: {  	[bflag:$0x0] =	sbarrier.arrive $0xFFFF  }
0xae: {  	_ =	strace $0x9000004A  }
0xaf: {  	s0 =	stileid.u32;
	[bflag:$0x2] =	sbarrier.arrive $0xFFFF  }
0xb0: {  	p0 =	sne.s32 s0, $0x0;
	s0 =	rddreg [dreg:$0x3]  }
0xb1: {  	s0 =	sadd.s32 @!p0 $0x100000, s0  }
0xb2: {  	[sflag:s0] =	ssyncadd.tile.s32 @!p0 $0x1;
	_ =	shalt  }
.Lfunc_end2:
_tile_overlayer_lowered:
.L_overlay_start_2:
0xb3: {  	(tag) =	ssettag $0x2  }
0xb4: {  	s0 =	rddreg [dreg:$0x0];
	s2 =	stileid.u32  }
0xb5: {  	s1 =	rddreg [dreg:$0x1];
	p0 =	sne.s32 s2, $0x0  }
0xb6: {  	s3 =	rddreg [dreg:$0x2];
	[bflag:$0x3] =	sbarrier.arrive $0xFFFF;
	s2 =	simm.s32 @!p0 $0x1C05  }
0xb7: {  	[timem:s3], [sflag:s2] =	dma.local @!p0 [hbm:s0], s1  }
0xb8: {  	s0 =	simm.s32 @!p0 $0x5  }
0xb9: {  	_ =	swait.ge @!p0 [sflag:s0], s1  }
0xba: {  	s1 =	ssub.s32 @!p0 $0x0, s1;
	[sflag:s0] =	ssyncset.done @!p0 $0x0  }
0xbb: {  	[sflag:s0] =	ssyncadd.s32 @!p0 s1  }
0xbc: {  	[bflag:$0x3] =	sbarrier.arrive $0xFFFF  }
0xbd: {  	_ =	shalt  }

</sc_bundles>
